<compile_context>
chip_gen: v7x
topology: tpu7x:2x2x1
jax: 0.10.2.dev20260603
libtpu: 0.0.44.dev20260713+nightly
codegen_flags: <defaults>
</compile_context>

<pallas_src>
import dataclasses
import functools

import jax
import jax.numpy as jnp
from jax import lax
from jax.experimental import pallas as pl
from jax.experimental.pallas import tpu as pltpu
from jax.experimental.pallas import tpu_sc as plsc

EMB = 128
EMBW = EMB // 2
N_EDGES = 320000
NUM_WORKERS = 32
PAIRS = N_EDGES // NUM_WORKERS
WP = 40
NWIN = PAIRS // WP
NPAIR = NWIN // 2

HB = 2560


def _sc_gather_mul(ei_pos, ei_neg, xp):
    mesh = plsc.VectorSubcoreMesh(
        core_axis_name="c", subcore_axis_name="s", num_cores=2, num_subcores=16
    )

    cp = pltpu.CompilerParams(use_tc_tiling_on_sc=False)
    if "needs_layout_passes" in pltpu.CompilerParams.__dataclass_fields__:
        cp = dataclasses.replace(cp, needs_layout_passes=False)

    @functools.partial(
        pl.kernel,
        out_type=jax.ShapeDtypeStruct((N_EDGES, EMB), jnp.int32),
        mesh=mesh,
        compiler_params=cp,
        scratch_types=[
            pltpu.VMEM((2 * PAIRS,), jnp.int32),
            pltpu.VMEM((2 * PAIRS,), jnp.int32),
            pltpu.VMEM((2, 2 * WP, EMBW), jnp.int32),
            pltpu.VMEM((2, 2 * WP, EMBW), jnp.int32),
            pltpu.VMEM((2, WP, EMB), jnp.int32),
            pltpu.SemaphoreType.DMA((2,)),
            pltpu.SemaphoreType.DMA((2,)),
            pltpu.SemaphoreType.DMA((2,)),
        ],
    )
    def gather_mul(ei_pos_hbm, ei_neg_hbm, x_hbm, out_hbm, idx_s, idx_d,
                   rows_a, rows_b, rows_c, sem_a, sem_b, sem_o):
        wid = lax.axis_index("s") * 2 + lax.axis_index("c")
        base_p = wid * PAIRS

        pltpu.sync_copy(ei_pos_hbm.at[pl.ds(base_p, PAIRS)],
                        idx_s.at[pl.ds(0, PAIRS)])
        pltpu.sync_copy(ei_neg_hbm.at[pl.ds(base_p, PAIRS)],
                        idx_s.at[pl.ds(PAIRS, PAIRS)])
        pltpu.sync_copy(ei_pos_hbm.at[pl.ds(N_EDGES + base_p, PAIRS)],
                        idx_d.at[pl.ds(0, PAIRS)])
        pltpu.sync_copy(ei_neg_hbm.at[pl.ds(N_EDGES + base_p, PAIRS)],
                        idx_d.at[pl.ds(PAIRS, PAIRS)])

        def start_gather(slot, w):
            off = w * WP
            pltpu.async_copy(x_hbm.at[idx_s.at[pl.ds(off, WP)]],
                             rows_a.at[slot, pl.ds(0, WP)], sem_a.at[slot])
            pltpu.async_copy(x_hbm.at[idx_s.at[pl.ds(PAIRS + off, WP)]],
                             rows_a.at[slot, pl.ds(WP, WP)], sem_a.at[slot])
            pltpu.async_copy(x_hbm.at[idx_d.at[pl.ds(off, WP)]],
                             rows_b.at[slot, pl.ds(0, WP)], sem_b.at[slot])
            pltpu.async_copy(x_hbm.at[idx_d.at[pl.ds(PAIRS + off, WP)]],
                             rows_b.at[slot, pl.ds(WP, WP)], sem_b.at[slot])

        def wait_gather(slot):
            pltpu.make_async_copy(x_hbm.at[idx_s.at[pl.ds(0, 2 * WP)]],
                                  rows_a.at[slot], sem_a.at[slot]).wait()
            pltpu.make_async_copy(x_hbm.at[idx_d.at[pl.ds(0, 2 * WP)]],
                                  rows_b.at[slot], sem_b.at[slot]).wait()

        def wait_out(slot):
            pltpu.make_async_copy(
                rows_c.at[slot], out_hbm.at[pl.ds(base_p, WP)],
                sem_o.at[slot]).wait()

        start_gather(0, 0)
        start_gather(1, 1)

        @pl.loop(0, NPAIR)
        def _(p):
            for slot in (0, 1):
                w = 2 * p + slot
                wait_gather(slot)

                @pl.when(p > 0)
                def _():
                    wait_out(slot)

                @plsc.parallel_loop(0, WP, 1, unroll=2)
                def _(k):
                    for half in (0, 1):
                        e = k + half * WP
                        for c in range(EMBW // 16):
                            csl = pl.ds(c * 16, 16)
                            va = plsc.bitcast(rows_a[slot, e, csl],
                                              jnp.bfloat16)
                            vb = plsc.bitcast(rows_b[slot, e, csl],
                                              jnp.bfloat16)
                            prod = jnp.maximum(va * vb, jnp.bfloat16(0))
                            osl = pl.ds(half * EMBW + c * 16, 16)
                            rows_c[slot, k, osl] = plsc.bitcast(
                                prod, jnp.int32)

                pltpu.async_copy(
                    rows_c.at[slot],
                    out_hbm.at[pl.ds(base_p + w * WP, WP)],
                    sem_o.at[slot])

                @pl.when(p < NPAIR - 1)
                def _():
                    start_gather(slot, w + 2)

        wait_out(0)
        wait_out(1)

    return gather_mul(ei_pos.reshape(-1), ei_neg.reshape(-1), xp)


def _unpack(w):
    bf = jnp.bfloat16
    lo = lax.bitcast_convert_type(
        jnp.left_shift(w, 16), jnp.float32).astype(bf)
    hi = lax.bitcast_convert_type(w, jnp.float32).astype(bf)
    return jnp.concatenate([lo, hi], axis=1)


def _tc_mlp_kernel(em_ref, w1_ref, b1_ref, w2_ref, b2_ref,
                   we1_ref, be1_ref, we2_ref, be2_ref,
                   attr_ref, lpos_ref, lneg_ref):
    hdims = (((0,), (1,)), ((), ()))
    bf = jnp.bfloat16
    w = em_ref[...]
    d_p = _unpack(w[:, :EMBW])
    d_n = _unpack(w[:, EMBW:])

    def hidden(d, w_ref, b_ref):
        return jnp.maximum(
            jnp.dot(d, w_ref[...],
                    preferred_element_type=jnp.float32).astype(bf)
            + b_ref[...], bf(0))

    def head(h, w_ref, b_ref):
        return jax.nn.sigmoid(
            lax.dot_general(w_ref[...], h, hdims,
                            preferred_element_type=jnp.float32) + b_ref[...])

    lpos_ref[...] = head(hidden(d_p, we1_ref, be1_ref), we2_ref, be2_ref)
    lneg_ref[...] = head(hidden(d_n, we1_ref, be1_ref), we2_ref, be2_ref)
    attr_ref[...] = head(hidden(d_p, w1_ref, b1_ref), w2_ref, b2_ref)


def _perm(w):
    return jnp.concatenate([w[0::2], w[1::2]], axis=0).astype(jnp.bfloat16)


def _tc_mlp(em, W1, b1, W2, b2, We1, be1, We2, be2):
    full = lambda s: pl.BlockSpec(s, lambda i: (0, 0))
    grid = N_EDGES // HB
    narrow = lambda j: pl.BlockSpec((j, HB), lambda i: (0, i))
    outs = pl.pallas_call(
        _tc_mlp_kernel,
        grid=(grid,),
        in_specs=[
            pl.BlockSpec((HB, EMB), lambda i: (i, 0)),
            full((EMB, EMB)),
            full((1, EMB)),
            full((EMB, 7)),
            full((7, 1)),
            full((EMB, EMB)),
            full((1, EMB)),
            full((EMB, 1)),
            full((1, 1)),
        ],
        out_specs=[narrow(7), narrow(1), narrow(1)],
        out_shape=[
            jax.ShapeDtypeStruct((7, N_EDGES), jnp.float32),
            jax.ShapeDtypeStruct((1, N_EDGES), jnp.float32),
            jax.ShapeDtypeStruct((1, N_EDGES), jnp.float32),
        ],
    )(em, _perm(W1), b1.reshape(1, EMB).astype(jnp.bfloat16),
      W2.astype(jnp.bfloat16), b2.reshape(7, 1),
      _perm(We1), be1.reshape(1, EMB).astype(jnp.bfloat16),
      We2.astype(jnp.bfloat16), be2.reshape(1, 1))
    return outs


def kernel(x, edge_index, edge_index_neg, W1, b1, W2, b2, We1, be1, We2, be2):
    xb = x.astype(jnp.bfloat16)
    xp = lax.bitcast_convert_type(
        xb.reshape(x.shape[0], EMBW, 2), jnp.int32)
    em = _sc_gather_mul(edge_index, edge_index_neg, xp)
    attr_t, lpos, lneg = _tc_mlp(em, W1, b1, W2, b2, We1, be1, We2, be2)
    return (attr_t.T, lpos[0], lneg[0])

# --- scband reference (transcript-rebuilt; emitter-appended) ---
"""Pipeline reference for scband-vgae-206158430562 (READ-ONLY COPY).

The authoritative reference and input builder live on the scoring server;
editing this copy changes nothing except your own understanding.
"""

import jax, jax.numpy as jnp
import numpy as np

EMB = 128
N_NODES = 10000
N_EDGES = 320000


def setup_inputs(seed: int = 0) -> dict:
    key = jax.random.key(seed)
    ks = jax.random.split(key, 12)
    x = jax.random.normal(ks[0], (N_NODES, EMB), dtype=jnp.float32)
    edge_index = jax.random.randint(ks[1], (2, N_EDGES), 0, N_NODES, dtype=jnp.int64 if jax.config.jax_enable_x64 else jnp.int32).astype(jnp.int32)
    edge_index_neg = jax.random.randint(ks[2], (2, N_EDGES), 0, N_NODES, dtype=jnp.int32)
    s = 1.0 / np.sqrt(EMB)
    # decoder: ReLU -> Linear(emb, emb) -> ReLU -> Linear(emb, 7) -> Sigmoid
    W1 = jax.random.uniform(ks[3], (EMB, EMB), minval=-s, maxval=s, dtype=jnp.float32)
    b1 = jax.random.uniform(ks[4], (EMB,), minval=-s, maxval=s, dtype=jnp.float32)
    W2 = jax.random.uniform(ks[5], (EMB, 7), minval=-s, maxval=s, dtype=jnp.float32)
    b2 = jax.random.uniform(ks[6], (7,), minval=-s, maxval=s, dtype=jnp.float32)
    # decoder_edge: ReLU -> Linear(emb, emb) -> ReLU -> Linear(emb, 1)
    We1 = jax.random.uniform(ks[7], (EMB, EMB), minval=-s, maxval=s, dtype=jnp.float32)
    be1 = jax.random.uniform(ks[8], (EMB,), minval=-s, maxval=s, dtype=jnp.float32)
    We2 = jax.random.uniform(ks[9], (EMB, 1), minval=-s, maxval=s, dtype=jnp.float32)
    be2 = jax.random.uniform(ks[10], (1,), minval=-s, maxval=s, dtype=jnp.float32)
    return {"x": x, "edge_index": edge_index, "edge_index_neg": edge_index_neg,
            "W1": W1, "b1": b1, "W2": W2, "b2": b2,
            "We1": We1, "be1": be1, "We2": We2, "be2": be2}


def _decoder(h, W1, b1, W2, b2):
    d = jax.nn.relu(h)
    d = jax.nn.relu(d @ W1 + b1)
    return jax.nn.sigmoid(d @ W2 + b2)


def _decoder_edge(h, We1, be1, We2, be2):
    d = jax.nn.relu(h)
    d = jax.nn.relu(d @ We1 + be1)
    return d @ We2 + be2


def reference(x, edge_index, edge_index_neg, W1, b1, W2, b2, We1, be1, We2, be2):
    # vgae.forward_decoder
    eleWise_mul = x[edge_index[0]] * x[edge_index[1]]
    edge_attr_pred = _decoder(eleWise_mul, W1, b1, W2, b2)
    edge_pos = jax.nn.sigmoid(_decoder_edge(eleWise_mul, We1, be1, We2, be2)).squeeze(-1)
    ele_neg = x[edge_index_neg[0]] * x[edge_index_neg[1]]
    edge_neg = jax.nn.sigmoid(_decoder_edge(ele_neg, We1, be1, We2, be2)).squeeze(-1)
    return (edge_attr_pred, edge_pos, edge_neg)

if __name__ == "__main__":
    import jax
    _d = setup_inputs()
    print(jax.jit(kernel)(*tuple(_d.values())))

</pallas_src>

<mosaic_0001>
#map = affine_map<(d0, d1) -> (0)>
#map1 = affine_map<(d0, d1) -> (0, 0)>
module attributes {stable_mosaic.version = 14 : i64} {
  func.func @gather_mul(%arg0: i32, %arg1: i32, %arg2: memref<640000xi32, #tpu.memory_space<hbm>>, %arg3: memref<640000xi32, #tpu.memory_space<hbm>>, %arg4: memref<10000x64xi32, #tpu.memory_space<hbm>>, %arg5: memref<320000x128xi32, #tpu.memory_space<hbm>>, %arg6: memref<20000xi32, #tpu.memory_space<vmem>>, %arg7: memref<20000xi32, #tpu.memory_space<vmem>>, %arg8: memref<2x80x64xi32, #tpu.memory_space<vmem>>, %arg9: memref<2x80x64xi32, #tpu.memory_space<vmem>>, %arg10: memref<2x40x128xi32, #tpu.memory_space<vmem>>, %arg11: memref<2x!tpu.dma_semaphore, #tpu.memory_space<semaphore_mem>>, %arg12: memref<2x!tpu.dma_semaphore, #tpu.memory_space<semaphore_mem>>, %arg13: memref<2x!tpu.dma_semaphore, #tpu.memory_space<semaphore_mem>>) attributes {dimension_semantics = [#tpu.dimension_semantics<core_parallel>, #tpu.dimension_semantics<subcore_parallel>], iteration_bounds = array<i64: 2, 16>, scalar_prefetch = 0 : i64, scratch_operands = 8 : i64, tpu.core_type = #tpu.core_type<sc_vector_subcore>, window_params = [{transform_indices = #map}, {transform_indices = #map}, {transform_indices = #map1}, {transform_indices = #map1}]} {
    %mul3A = arith.constant 2 : i32
    %mul3A_0 = arith.muli %arg1, %mul3A : i32
    %add3A = arith.addi %mul3A_0, %arg0 : i32
    %mul3A_1 = arith.constant 10000 : i32
    %mul3A_2 = arith.muli %add3A, %mul3A_1 : i32
    "tpu.region"() ({
      %run_scoped3A = tpu.sem_alloc : memref<!tpu.dma_semaphore, #tpu.memory_space<semaphore_mem>>
      %dma_start3A_145 = arith.constant 0 : i32
      %dma_start3A_146 = tpu.memref_slice %arg6[%dma_start3A_145] : memref<20000xi32, #tpu.memory_space<vmem>> -> memref<10000xi32, #tpu.memory_space<vmem>>
      %dma_start3A_147 = tpu.memref_slice %arg2[%mul3A_2] : memref<640000xi32, #tpu.memory_space<hbm>> -> memref<10000xi32, #tpu.memory_space<hbm>>
      %dma_start3A_148 = arith.constant 0 : i32
      %dma_start3A_149 = tpu.memref_slice %arg6[%dma_start3A_148] : memref<20000xi32, #tpu.memory_space<vmem>> -> memref<10000xi32, #tpu.memory_space<vmem>>
      %dma_start3A_150 = tpu.memref_slice %arg2[%mul3A_2] : memref<640000xi32, #tpu.memory_space<hbm>> -> memref<10000xi32, #tpu.memory_space<hbm>>
      tpu.enqueue_dma source(%dma_start3A_150 : memref<10000xi32, #tpu.memory_space<hbm>>) target(%dma_start3A_149 : memref<10000xi32, #tpu.memory_space<vmem>>) target_semaphore(%run_scoped3A : memref<!tpu.dma_semaphore, #tpu.memory_space<semaphore_mem>>)
      %dma_wait3A_151 = arith.constant 0 : i32
      %dma_wait3A_152 = tpu.memref_slice %arg6[%dma_wait3A_151] : memref<20000xi32, #tpu.memory_space<vmem>> -> memref<10000xi32, #tpu.memory_space<vmem>>
      %dma_wait3A_153 = tpu.memref_slice %arg2[%mul3A_2] : memref<640000xi32, #tpu.memory_space<hbm>> -> memref<10000xi32, #tpu.memory_space<hbm>>
      %dma_wait3A_154 = arith.constant 0 : i32
      %dma_wait3A_155 = tpu.memref_slice %arg6[%dma_wait3A_154] : memref<20000xi32, #tpu.memory_space<vmem>> -> memref<10000xi32, #tpu.memory_space<vmem>>
      %dma_wait3A_156 = tpu.memref_slice %arg2[%mul3A_2] : memref<640000xi32, #tpu.memory_space<hbm>> -> memref<10000xi32, #tpu.memory_space<hbm>>
      tpu.wait_dma2 semaphore(%run_scoped3A : memref<!tpu.dma_semaphore, #tpu.memory_space<semaphore_mem>>) src(%dma_wait3A_156 : memref<10000xi32, #tpu.memory_space<hbm>>) dst(%dma_wait3A_155 : memref<10000xi32, #tpu.memory_space<vmem>>)
      tpu.yield
    }) : () -> ()
    "tpu.region"() ({
      %run_scoped3A = tpu.sem_alloc : memref<!tpu.dma_semaphore, #tpu.memory_space<semaphore_mem>>
      %dma_start3A_145 = arith.constant 10000 : i32
      %dma_start3A_146 = tpu.memref_slice %arg6[%dma_start3A_145] : memref<20000xi32, #tpu.memory_space<vmem>> -> memref<10000xi32, #tpu.memory_space<vmem>>
      %dma_start3A_147 = tpu.memref_slice %arg3[%mul3A_2] : memref<640000xi32, #tpu.memory_space<hbm>> -> memref<10000xi32, #tpu.memory_space<hbm>>
      %dma_start3A_148 = arith.constant 10000 : i32
      %dma_start3A_149 = tpu.memref_slice %arg6[%dma_start3A_148] : memref<20000xi32, #tpu.memory_space<vmem>> -> memref<10000xi32, #tpu.memory_space<vmem>>
      %dma_start3A_150 = tpu.memref_slice %arg3[%mul3A_2] : memref<640000xi32, #tpu.memory_space<hbm>> -> memref<10000xi32, #tpu.memory_space<hbm>>
      tpu.enqueue_dma source(%dma_start3A_150 : memref<10000xi32, #tpu.memory_space<hbm>>) target(%dma_start3A_149 : memref<10000xi32, #tpu.memory_space<vmem>>) target_semaphore(%run_scoped3A : memref<!tpu.dma_semaphore, #tpu.memory_space<semaphore_mem>>)
      %dma_wait3A_151 = arith.constant 10000 : i32
      %dma_wait3A_152 = tpu.memref_slice %arg6[%dma_wait3A_151] : memref<20000xi32, #tpu.memory_space<vmem>> -> memref<10000xi32, #tpu.memory_space<vmem>>
      %dma_wait3A_153 = tpu.memref_slice %arg3[%mul3A_2] : memref<640000xi32, #tpu.memory_space<hbm>> -> memref<10000xi32, #tpu.memory_space<hbm>>
      %dma_wait3A_154 = arith.constant 10000 : i32
      %dma_wait3A_155 = tpu.memref_slice %arg6[%dma_wait3A_154] : memref<20000xi32, #tpu.memory_space<vmem>> -> memref<10000xi32, #tpu.memory_space<vmem>>
      %dma_wait3A_156 = tpu.memref_slice %arg3[%mul3A_2] : memref<640000xi32, #tpu.memory_space<hbm>> -> memref<10000xi32, #tpu.memory_space<hbm>>
      tpu.wait_dma2 semaphore(%run_scoped3A : memref<!tpu.dma_semaphore, #tpu.memory_space<semaphore_mem>>) src(%dma_wait3A_156 : memref<10000xi32, #tpu.memory_space<hbm>>) dst(%dma_wait3A_155 : memref<10000xi32, #tpu.memory_space<vmem>>)
      tpu.yield
    }) : () -> ()
    %add3A_3 = arith.constant 320000 : i32
    %add3A_4 = arith.addi %add3A_3, %mul3A_2 : i32
    "tpu.region"() ({
      %run_scoped3A = tpu.sem_alloc : memref<!tpu.dma_semaphore, #tpu.memory_space<semaphore_mem>>
      %dma_start3A_145 = arith.constant 0 : i32
      %dma_start3A_146 = tpu.memref_slice %arg7[%dma_start3A_145] : memref<20000xi32, #tpu.memory_space<vmem>> -> memref<10000xi32, #tpu.memory_space<vmem>>
      %dma_start3A_147 = tpu.memref_slice %arg2[%add3A_4] : memref<640000xi32, #tpu.memory_space<hbm>> -> memref<10000xi32, #tpu.memory_space<hbm>>
      %dma_start3A_148 = arith.constant 0 : i32
      %dma_start3A_149 = tpu.memref_slice %arg7[%dma_start3A_148] : memref<20000xi32, #tpu.memory_space<vmem>> -> memref<10000xi32, #tpu.memory_space<vmem>>
      %dma_start3A_150 = tpu.memref_slice %arg2[%add3A_4] : memref<640000xi32, #tpu.memory_space<hbm>> -> memref<10000xi32, #tpu.memory_space<hbm>>
      tpu.enqueue_dma source(%dma_start3A_150 : memref<10000xi32, #tpu.memory_space<hbm>>) target(%dma_start3A_149 : memref<10000xi32, #tpu.memory_space<vmem>>) target_semaphore(%run_scoped3A : memref<!tpu.dma_semaphore, #tpu.memory_space<semaphore_mem>>)
      %dma_wait3A_151 = arith.constant 0 : i32
      %dma_wait3A_152 = tpu.memref_slice %arg7[%dma_wait3A_151] : memref<20000xi32, #tpu.memory_space<vmem>> -> memref<10000xi32, #tpu.memory_space<vmem>>
      %dma_wait3A_153 = tpu.memref_slice %arg2[%add3A_4] : memref<640000xi32, #tpu.memory_space<hbm>> -> memref<10000xi32, #tpu.memory_space<hbm>>
      %dma_wait3A_154 = arith.constant 0 : i32
      %dma_wait3A_155 = tpu.memref_slice %arg7[%dma_wait3A_154] : memref<20000xi32, #tpu.memory_space<vmem>> -> memref<10000xi32, #tpu.memory_space<vmem>>
      %dma_wait3A_156 = tpu.memref_slice %arg2[%add3A_4] : memref<640000xi32, #tpu.memory_space<hbm>> -> memref<10000xi32, #tpu.memory_space<hbm>>
      tpu.wait_dma2 semaphore(%run_scoped3A : memref<!tpu.dma_semaphore, #tpu.memory_space<semaphore_mem>>) src(%dma_wait3A_156 : memref<10000xi32, #tpu.memory_space<hbm>>) dst(%dma_wait3A_155 : memref<10000xi32, #tpu.memory_space<vmem>>)
      tpu.yield
    }) : () -> ()
    %add3A_5 = arith.constant 320000 : i32
    %add3A_6 = arith.addi %add3A_5, %mul3A_2 : i32
    "tpu.region"() ({
      %run_scoped3A = tpu.sem_alloc : memref<!tpu.dma_semaphore, #tpu.memory_space<semaphore_mem>>
      %dma_start3A_145 = arith.constant 10000 : i32
      %dma_start3A_146 = tpu.memref_slice %arg7[%dma_start3A_145] : memref<20000xi32, #tpu.memory_space<vmem>> -> memref<10000xi32, #tpu.memory_space<vmem>>
      %dma_start3A_147 = tpu.memref_slice %arg3[%add3A_6] : memref<640000xi32, #tpu.memory_space<hbm>> -> memref<10000xi32, #tpu.memory_space<hbm>>
      %dma_start3A_148 = arith.constant 10000 : i32
      %dma_start3A_149 = tpu.memref_slice %arg7[%dma_start3A_148] : memref<20000xi32, #tpu.memory_space<vmem>> -> memref<10000xi32, #tpu.memory_space<vmem>>
      %dma_start3A_150 = tpu.memref_slice %arg3[%add3A_6] : memref<640000xi32, #tpu.memory_space<hbm>> -> memref<10000xi32, #tpu.memory_space<hbm>>
      tpu.enqueue_dma source(%dma_start3A_150 : memref<10000xi32, #tpu.memory_space<hbm>>) target(%dma_start3A_149 : memref<10000xi32, #tpu.memory_space<vmem>>) target_semaphore(%run_scoped3A : memref<!tpu.dma_semaphore, #tpu.memory_space<semaphore_mem>>)
      %dma_wait3A_151 = arith.constant 10000 : i32
      %dma_wait3A_152 = tpu.memref_slice %arg7[%dma_wait3A_151] : memref<20000xi32, #tpu.memory_space<vmem>> -> memref<10000xi32, #tpu.memory_space<vmem>>
      %dma_wait3A_153 = tpu.memref_slice %arg3[%add3A_6] : memref<640000xi32, #tpu.memory_space<hbm>> -> memref<10000xi32, #tpu.memory_space<hbm>>
      %dma_wait3A_154 = arith.constant 10000 : i32
      %dma_wait3A_155 = tpu.memref_slice %arg7[%dma_wait3A_154] : memref<20000xi32, #tpu.memory_space<vmem>> -> memref<10000xi32, #tpu.memory_space<vmem>>
      %dma_wait3A_156 = tpu.memref_slice %arg3[%add3A_6] : memref<640000xi32, #tpu.memory_space<hbm>> -> memref<10000xi32, #tpu.memory_space<hbm>>
      tpu.wait_dma2 semaphore(%run_scoped3A : memref<!tpu.dma_semaphore, #tpu.memory_space<semaphore_mem>>) src(%dma_wait3A_156 : memref<10000xi32, #tpu.memory_space<hbm>>) dst(%dma_wait3A_155 : memref<10000xi32, #tpu.memory_space<vmem>>)
      tpu.yield
    }) : () -> ()
    %dma_start3A = arith.constant 0 : i32
    %dma_start3A_7 = arith.constant 0 : i32
    %dma_start3A_8 = arith.constant 0 : i32
    %dma_start3A_9 = arith.constant 0 : i32
    %dma_start3A_10 = tpu.memref_slice %arg8[%dma_start3A, %dma_start3A_8, %dma_start3A_9] : memref<2x80x64xi32, #tpu.memory_space<vmem>> -> memref<1x40x64xi32, #tpu.memory_space<vmem>>
    %dma_start3A_11 = tpu.memref_squeeze %dma_start3A_10 : memref<1x40x64xi32, #tpu.memory_space<vmem>> -> memref<40x64xi32, #tpu.memory_space<vmem>>
    %dma_start3A_12 = arith.constant 0 : i32
    %dma_start3A_13 = tpu.memref_slice %arg6[%dma_start3A_12] : memref<20000xi32, #tpu.memory_space<vmem>> -> memref<40xi32, #tpu.memory_space<vmem>>
    %dma_start3A_14 = arith.constant 0 : i32
    %dma_start3A_15 = arith.constant 0 : i32
    %dma_start3A_16 = tpu.memref_slice %arg4[%dma_start3A_14, %dma_start3A_15] : memref<10000x64xi32, #tpu.memory_space<hbm>> -> memref<10000x64xi32, #tpu.memory_space<hbm>>
    %dma_start3A_17 = tpu.memref_slice %arg11[%dma_start3A_7] : memref<2x!tpu.dma_semaphore, #tpu.memory_space<semaphore_mem>> -> memref<1x!tpu.dma_semaphore, #tpu.memory_space<semaphore_mem>>
    %dma_start3A_18 = tpu.memref_squeeze %dma_start3A_17 : memref<1x!tpu.dma_semaphore, #tpu.memory_space<semaphore_mem>> -> memref<!tpu.dma_semaphore, #tpu.memory_space<semaphore_mem>>
    tpu.enqueue_indirect_dma source(%dma_start3A_16 : memref<10000x64xi32, #tpu.memory_space<hbm>>) target(%dma_start3A_11 : memref<40x64xi32, #tpu.memory_space<vmem>>) offsets(%dma_start3A_13 : memref<40xi32, #tpu.memory_space<vmem>>) semaphore(%dma_start3A_18 : memref<!tpu.dma_semaphore, #tpu.memory_space<semaphore_mem>>)
    %dma_start3A_19 = arith.constant 0 : i32
    %dma_start3A_20 = arith.constant 0 : i32
    %dma_start3A_21 = arith.constant 40 : i32
    %dma_start3A_22 = arith.constant 0 : i32
    %dma_start3A_23 = tpu.memref_slice %arg8[%dma_start3A_19, %dma_start3A_21, %dma_start3A_22] : memref<2x80x64xi32, #tpu.memory_space<vmem>> -> memref<1x40x64xi32, #tpu.memory_space<vmem>>
    %dma_start3A_24 = tpu.memref_squeeze %dma_start3A_23 : memref<1x40x64xi32, #tpu.memory_space<vmem>> -> memref<40x64xi32, #tpu.memory_space<vmem>>
    %dma_start3A_25 = arith.constant 10000 : i32
    %dma_start3A_26 = tpu.memref_slice %arg6[%dma_start3A_25] : memref<20000xi32, #tpu.memory_space<vmem>> -> memref<40xi32, #tpu.memory_space<vmem>>
    %dma_start3A_27 = arith.constant 0 : i32
    %dma_start3A_28 = arith.constant 0 : i32
    %dma_start3A_29 = tpu.memref_slice %arg4[%dma_start3A_27, %dma_start3A_28] : memref<10000x64xi32, #tpu.memory_space<hbm>> -> memref<10000x64xi32, #tpu.memory_space<hbm>>
    %dma_start3A_30 = tpu.memref_slice %arg11[%dma_start3A_20] : memref<2x!tpu.dma_semaphore, #tpu.memory_space<semaphore_mem>> -> memref<1x!tpu.dma_semaphore, #tpu.memory_space<semaphore_mem>>
    %dma_start3A_31 = tpu.memref_squeeze %dma_start3A_30 : memref<1x!tpu.dma_semaphore, #tpu.memory_space<semaphore_mem>> -> memref<!tpu.dma_semaphore, #tpu.memory_space<semaphore_mem>>
    tpu.enqueue_indirect_dma source(%dma_start3A_29 : memref<10000x64xi32, #tpu.memory_space<hbm>>) target(%dma_start3A_24 : memref<40x64xi32, #tpu.memory_space<vmem>>) offsets(%dma_start3A_26 : memref<40xi32, #tpu.memory_space<vmem>>) semaphore(%dma_start3A_31 : memref<!tpu.dma_semaphore, #tpu.memory_space<semaphore_mem>>)
    %dma_start3A_32 = arith.constant 0 : i32
    %dma_start3A_33 = arith.constant 0 : i32
    %dma_start3A_34 = arith.constant 0 : i32
    %dma_start3A_35 = arith.constant 0 : i32
    %dma_start3A_36 = tpu.memref_slice %arg9[%dma_start3A_32, %dma_start3A_34, %dma_start3A_35] : memref<2x80x64xi32, #tpu.memory_space<vmem>> -> memref<1x40x64xi32, #tpu.memory_space<vmem>>
    %dma_start3A_37 = tpu.memref_squeeze %dma_start3A_36 : memref<1x40x64xi32, #tpu.memory_space<vmem>> -> memref<40x64xi32, #tpu.memory_space<vmem>>
    %dma_start3A_38 = arith.constant 0 : i32
    %dma_start3A_39 = tpu.memref_slice %arg7[%dma_start3A_38] : memref<20000xi32, #tpu.memory_space<vmem>> -> memref<40xi32, #tpu.memory_space<vmem>>
    %dma_start3A_40 = arith.constant 0 : i32
    %dma_start3A_41 = arith.constant 0 : i32
    %dma_start3A_42 = tpu.memref_slice %arg4[%dma_start3A_40, %dma_start3A_41] : memref<10000x64xi32, #tpu.memory_space<hbm>> -> memref<10000x64xi32, #tpu.memory_space<hbm>>
    %dma_start3A_43 = tpu.memref_slice %arg12[%dma_start3A_33] : memref<2x!tpu.dma_semaphore, #tpu.memory_space<semaphore_mem>> -> memref<1x!tpu.dma_semaphore, #tpu.memory_space<semaphore_mem>>
    %dma_start3A_44 = tpu.memref_squeeze %dma_start3A_43 : memref<1x!tpu.dma_semaphore, #tpu.memory_space<semaphore_mem>> -> memref<!tpu.dma_semaphore, #tpu.memory_space<semaphore_mem>>
    tpu.enqueue_indirect_dma source(%dma_start3A_42 : memref<10000x64xi32, #tpu.memory_space<hbm>>) target(%dma_start3A_37 : memref<40x64xi32, #tpu.memory_space<vmem>>) offsets(%dma_start3A_39 : memref<40xi32, #tpu.memory_space<vmem>>) semaphore(%dma_start3A_44 : memref<!tpu.dma_semaphore, #tpu.memory_space<semaphore_mem>>)
    %dma_start3A_45 = arith.constant 0 : i32
    %dma_start3A_46 = arith.constant 0 : i32
    %dma_start3A_47 = arith.constant 40 : i32
    %dma_start3A_48 = arith.constant 0 : i32
    %dma_start3A_49 = tpu.memref_slice %arg9[%dma_start3A_45, %dma_start3A_47, %dma_start3A_48] : memref<2x80x64xi32, #tpu.memory_space<vmem>> -> memref<1x40x64xi32, #tpu.memory_space<vmem>>
    %dma_start3A_50 = tpu.memref_squeeze %dma_start3A_49 : memref<1x40x64xi32, #tpu.memory_space<vmem>> -> memref<40x64xi32, #tpu.memory_space<vmem>>
    %dma_start3A_51 = arith.constant 10000 : i32
    %dma_start3A_52 = tpu.memref_slice %arg7[%dma_start3A_51] : memref<20000xi32, #tpu.memory_space<vmem>> -> memref<40xi32, #tpu.memory_space<vmem>>
    %dma_start3A_53 = arith.constant 0 : i32
    %dma_start3A_54 = arith.constant 0 : i32
    %dma_start3A_55 = tpu.memref_slice %arg4[%dma_start3A_53, %dma_start3A_54] : memref<10000x64xi32, #tpu.memory_space<hbm>> -> memref<10000x64xi32, #tpu.memory_space<hbm>>
    %dma_start3A_56 = tpu.memref_slice %arg12[%dma_start3A_46] : memref<2x!tpu.dma_semaphore, #tpu.memory_space<semaphore_mem>> -> memref<1x!tpu.dma_semaphore, #tpu.memory_space<semaphore_mem>>
    %dma_start3A_57 = tpu.memref_squeeze %dma_start3A_56 : memref<1x!tpu.dma_semaphore, #tpu.memory_space<semaphore_mem>> -> memref<!tpu.dma_semaphore, #tpu.memory_space<semaphore_mem>>
    tpu.enqueue_indirect_dma source(%dma_start3A_55 : memref<10000x64xi32, #tpu.memory_space<hbm>>) target(%dma_start3A_50 : memref<40x64xi32, #tpu.memory_space<vmem>>) offsets(%dma_start3A_52 : memref<40xi32, #tpu.memory_space<vmem>>) semaphore(%dma_start3A_57 : memref<!tpu.dma_semaphore, #tpu.memory_space<semaphore_mem>>)
    %dma_start3A_58 = arith.constant 1 : i32
    %dma_start3A_59 = arith.constant 1 : i32
    %dma_start3A_60 = arith.constant 0 : i32
    %dma_start3A_61 = arith.constant 0 : i32
    %dma_start3A_62 = tpu.memref_slice %arg8[%dma_start3A_58, %dma_start3A_60, %dma_start3A_61] : memref<2x80x64xi32, #tpu.memory_space<vmem>> -> memref<1x40x64xi32, #tpu.memory_space<vmem>>
    %dma_start3A_63 = tpu.memref_squeeze %dma_start3A_62 : memref<1x40x64xi32, #tpu.memory_space<vmem>> -> memref<40x64xi32, #tpu.memory_space<vmem>>
    %dma_start3A_64 = arith.constant 40 : i32
    %dma_start3A_65 = tpu.memref_slice %arg6[%dma_start3A_64] : memref<20000xi32, #tpu.memory_space<vmem>> -> memref<40xi32, #tpu.memory_space<vmem>>
    %dma_start3A_66 = arith.constant 0 : i32
    %dma_start3A_67 = arith.constant 0 : i32
    %dma_start3A_68 = tpu.memref_slice %arg4[%dma_start3A_66, %dma_start3A_67] : memref<10000x64xi32, #tpu.memory_space<hbm>> -> memref<10000x64xi32, #tpu.memory_space<hbm>>
    %dma_start3A_69 = tpu.memref_slice %arg11[%dma_start3A_59] : memref<2x!tpu.dma_semaphore, #tpu.memory_space<semaphore_mem>> -> memref<1x!tpu.dma_semaphore, #tpu.memory_space<semaphore_mem>>
    %dma_start3A_70 = tpu.memref_squeeze %dma_start3A_69 : memref<1x!tpu.dma_semaphore, #tpu.memory_space<semaphore_mem>> -> memref<!tpu.dma_semaphore, #tpu.memory_space<semaphore_mem>>
    tpu.enqueue_indirect_dma source(%dma_start3A_68 : memref<10000x64xi32, #tpu.memory_space<hbm>>) target(%dma_start3A_63 : memref<40x64xi32, #tpu.memory_space<vmem>>) offsets(%dma_start3A_65 : memref<40xi32, #tpu.memory_space<vmem>>) semaphore(%dma_start3A_70 : memref<!tpu.dma_semaphore, #tpu.memory_space<semaphore_mem>>)
    %dma_start3A_71 = arith.constant 1 : i32
    %dma_start3A_72 = arith.constant 1 : i32
    %dma_start3A_73 = arith.constant 40 : i32
    %dma_start3A_74 = arith.constant 0 : i32
    %dma_start3A_75 = tpu.memref_slice %arg8[%dma_start3A_71, %dma_start3A_73, %dma_start3A_74] : memref<2x80x64xi32, #tpu.memory_space<vmem>> -> memref<1x40x64xi32, #tpu.memory_space<vmem>>
    %dma_start3A_76 = tpu.memref_squeeze %dma_start3A_75 : memref<1x40x64xi32, #tpu.memory_space<vmem>> -> memref<40x64xi32, #tpu.memory_space<vmem>>
    %dma_start3A_77 = arith.constant 10040 : i32
    %dma_start3A_78 = tpu.memref_slice %arg6[%dma_start3A_77] : memref<20000xi32, #tpu.memory_space<vmem>> -> memref<40xi32, #tpu.memory_space<vmem>>
    %dma_start3A_79 = arith.constant 0 : i32
    %dma_start3A_80 = arith.constant 0 : i32
    %dma_start3A_81 = tpu.memref_slice %arg4[%dma_start3A_79, %dma_start3A_80] : memref<10000x64xi32, #tpu.memory_space<hbm>> -> memref<10000x64xi32, #tpu.memory_space<hbm>>
    %dma_start3A_82 = tpu.memref_slice %arg11[%dma_start3A_72] : memref<2x!tpu.dma_semaphore, #tpu.memory_space<semaphore_mem>> -> memref<1x!tpu.dma_semaphore, #tpu.memory_space<semaphore_mem>>
    %dma_start3A_83 = tpu.memref_squeeze %dma_start3A_82 : memref<1x!tpu.dma_semaphore, #tpu.memory_space<semaphore_mem>> -> memref<!tpu.dma_semaphore, #tpu.memory_space<semaphore_mem>>
    tpu.enqueue_indirect_dma source(%dma_start3A_81 : memref<10000x64xi32, #tpu.memory_space<hbm>>) target(%dma_start3A_76 : memref<40x64xi32, #tpu.memory_space<vmem>>) offsets(%dma_start3A_78 : memref<40xi32, #tpu.memory_space<vmem>>) semaphore(%dma_start3A_83 : memref<!tpu.dma_semaphore, #tpu.memory_space<semaphore_mem>>)
    %dma_start3A_84 = arith.constant 1 : i32
    %dma_start3A_85 = arith.constant 1 : i32
    %dma_start3A_86 = arith.constant 0 : i32
    %dma_start3A_87 = arith.constant 0 : i32
    %dma_start3A_88 = tpu.memref_slice %arg9[%dma_start3A_84, %dma_start3A_86, %dma_start3A_87] : memref<2x80x64xi32, #tpu.memory_space<vmem>> -> memref<1x40x64xi32, #tpu.memory_space<vmem>>
    %dma_start3A_89 = tpu.memref_squeeze %dma_start3A_88 : memref<1x40x64xi32, #tpu.memory_space<vmem>> -> memref<40x64xi32, #tpu.memory_space<vmem>>
    %dma_start3A_90 = arith.constant 40 : i32
    %dma_start3A_91 = tpu.memref_slice %arg7[%dma_start3A_90] : memref<20000xi32, #tpu.memory_space<vmem>> -> memref<40xi32, #tpu.memory_space<vmem>>
    %dma_start3A_92 = arith.constant 0 : i32
    %dma_start3A_93 = arith.constant 0 : i32
    %dma_start3A_94 = tpu.memref_slice %arg4[%dma_start3A_92, %dma_start3A_93] : memref<10000x64xi32, #tpu.memory_space<hbm>> -> memref<10000x64xi32, #tpu.memory_space<hbm>>
    %dma_start3A_95 = tpu.memref_slice %arg12[%dma_start3A_85] : memref<2x!tpu.dma_semaphore, #tpu.memory_space<semaphore_mem>> -> memref<1x!tpu.dma_semaphore, #tpu.memory_space<semaphore_mem>>
    %dma_start3A_96 = tpu.memref_squeeze %dma_start3A_95 : memref<1x!tpu.dma_semaphore, #tpu.memory_space<semaphore_mem>> -> memref<!tpu.dma_semaphore, #tpu.memory_space<semaphore_mem>>
    tpu.enqueue_indirect_dma source(%dma_start3A_94 : memref<10000x64xi32, #tpu.memory_space<hbm>>) target(%dma_start3A_89 : memref<40x64xi32, #tpu.memory_space<vmem>>) offsets(%dma_start3A_91 : memref<40xi32, #tpu.memory_space<vmem>>) semaphore(%dma_start3A_96 : memref<!tpu.dma_semaphore, #tpu.memory_space<semaphore_mem>>)
    %dma_start3A_97 = arith.constant 1 : i32
    %dma_start3A_98 = arith.constant 1 : i32
    %dma_start3A_99 = arith.constant 40 : i32
    %dma_start3A_100 = arith.constant 0 : i32
    %dma_start3A_101 = tpu.memref_slice %arg9[%dma_start3A_97, %dma_start3A_99, %dma_start3A_100] : memref<2x80x64xi32, #tpu.memory_space<vmem>> -> memref<1x40x64xi32, #tpu.memory_space<vmem>>
    %dma_start3A_102 = tpu.memref_squeeze %dma_start3A_101 : memref<1x40x64xi32, #tpu.memory_space<vmem>> -> memref<40x64xi32, #tpu.memory_space<vmem>>
    %dma_start3A_103 = arith.constant 10040 : i32
    %dma_start3A_104 = tpu.memref_slice %arg7[%dma_start3A_103] : memref<20000xi32, #tpu.memory_space<vmem>> -> memref<40xi32, #tpu.memory_space<vmem>>
    %dma_start3A_105 = arith.constant 0 : i32
    %dma_start3A_106 = arith.constant 0 : i32
    %dma_start3A_107 = tpu.memref_slice %arg4[%dma_start3A_105, %dma_start3A_106] : memref<10000x64xi32, #tpu.memory_space<hbm>> -> memref<10000x64xi32, #tpu.memory_space<hbm>>
    %dma_start3A_108 = tpu.memref_slice %arg12[%dma_start3A_98] : memref<2x!tpu.dma_semaphore, #tpu.memory_space<semaphore_mem>> -> memref<1x!tpu.dma_semaphore, #tpu.memory_space<semaphore_mem>>
    %dma_start3A_109 = tpu.memref_squeeze %dma_start3A_108 : memref<1x!tpu.dma_semaphore, #tpu.memory_space<semaphore_mem>> -> memref<!tpu.dma_semaphore, #tpu.memory_space<semaphore_mem>>
    tpu.enqueue_indirect_dma source(%dma_start3A_107 : memref<10000x64xi32, #tpu.memory_space<hbm>>) target(%dma_start3A_102 : memref<40x64xi32, #tpu.memory_space<vmem>>) offsets(%dma_start3A_104 : memref<40xi32, #tpu.memory_space<vmem>>) semaphore(%dma_start3A_109 : memref<!tpu.dma_semaphore, #tpu.memory_space<semaphore_mem>>)
    %scan3A = arith.constant 0 : i32
    %scan3A_110 = arith.constant 125 : i32
    %scan3A_111 = arith.addi %scan3A, %scan3A_110 : i32
    %scan3A_112 = arith.constant 1 : i32
    scf.for %scan3A_145 = %scan3A to %scan3A_111 step %scan3A_112  : i32 {
      %mul3A_146 = arith.constant 1 : i32
      %mul3A_147 = arith.muli %scan3A_145, %mul3A_146 : i32
      %add3A_148 = arith.constant 0 : i32
      %add3A_149 = arith.addi %add3A_148, %mul3A_147 : i32
      %mul3A_150 = arith.constant 2 : i32
      %mul3A_151 = arith.muli %mul3A_150, %add3A_149 : i32
      %add3A_152 = arith.constant 0 : i32
      %add3A_153 = arith.addi %mul3A_151, %add3A_152 : i32
      %dma_wait3A_154 = arith.constant 0 : i32
      %dma_wait3A_155 = arith.constant 0 : i32
      %dma_wait3A_156 = arith.constant 0 : i32
      %dma_wait3A_157 = arith.constant 0 : i32
      %dma_wait3A_158 = tpu.memref_slice %arg8[%dma_wait3A_154, %dma_wait3A_156, %dma_wait3A_157] : memref<2x80x64xi32, #tpu.memory_space<vmem>> -> memref<1x80x64xi32, #tpu.memory_space<vmem>>
      %dma_wait3A_159 = tpu.memref_squeeze %dma_wait3A_158 : memref<1x80x64xi32, #tpu.memory_space<vmem>> -> memref<80x64xi32, #tpu.memory_space<vmem>>
      %dma_wait3A_160 = arith.constant 0 : i32
      %dma_wait3A_161 = tpu.memref_slice %arg6[%dma_wait3A_160] : memref<20000xi32, #tpu.memory_space<vmem>> -> memref<80xi32, #tpu.memory_space<vmem>>
      %dma_wait3A_162 = arith.constant 0 : i32
      %dma_wait3A_163 = arith.constant 0 : i32
      %dma_wait3A_164 = tpu.memref_slice %arg4[%dma_wait3A_162, %dma_wait3A_163] : memref<10000x64xi32, #tpu.memory_space<hbm>> -> memref<10000x64xi32, #tpu.memory_space<hbm>>
      %dma_wait3A_165 = tpu.memref_slice %arg11[%dma_wait3A_155] : memref<2x!tpu.dma_semaphore, #tpu.memory_space<semaphore_mem>> -> memref<1x!tpu.dma_semaphore, #tpu.memory_space<semaphore_mem>>
      %dma_wait3A_166 = tpu.memref_squeeze %dma_wait3A_165 : memref<1x!tpu.dma_semaphore, #tpu.memory_space<semaphore_mem>> -> memref<!tpu.dma_semaphore, #tpu.memory_space<semaphore_mem>>
      tpu.wait_indirect_dma semaphore(%dma_wait3A_166 : memref<!tpu.dma_semaphore, #tpu.memory_space<semaphore_mem>>) src(%dma_wait3A_164 : memref<10000x64xi32, #tpu.memory_space<hbm>>) dst(%dma_wait3A_159 : memref<80x64xi32, #tpu.memory_space<vmem>>)
      %dma_wait3A_167 = arith.constant 0 : i32
      %dma_wait3A_168 = arith.constant 0 : i32
      %dma_wait3A_169 = arith.constant 0 : i32
      %dma_wait3A_170 = arith.constant 0 : i32
      %dma_wait3A_171 = tpu.memref_slice %arg9[%dma_wait3A_167, %dma_wait3A_169, %dma_wait3A_170] : memref<2x80x64xi32, #tpu.memory_space<vmem>> -> memref<1x80x64xi32, #tpu.memory_space<vmem>>
      %dma_wait3A_172 = tpu.memref_squeeze %dma_wait3A_171 : memref<1x80x64xi32, #tpu.memory_space<vmem>> -> memref<80x64xi32, #tpu.memory_space<vmem>>
      %dma_wait3A_173 = arith.constant 0 : i32
      %dma_wait3A_174 = tpu.memref_slice %arg7[%dma_wait3A_173] : memref<20000xi32, #tpu.memory_space<vmem>> -> memref<80xi32, #tpu.memory_space<vmem>>
      %dma_wait3A_175 = arith.constant 0 : i32
      %dma_wait3A_176 = arith.constant 0 : i32
      %dma_wait3A_177 = tpu.memref_slice %arg4[%dma_wait3A_175, %dma_wait3A_176] : memref<10000x64xi32, #tpu.memory_space<hbm>> -> memref<10000x64xi32, #tpu.memory_space<hbm>>
      %dma_wait3A_178 = tpu.memref_slice %arg12[%dma_wait3A_168] : memref<2x!tpu.dma_semaphore, #tpu.memory_space<semaphore_mem>> -> memref<1x!tpu.dma_semaphore, #tpu.memory_space<semaphore_mem>>
      %dma_wait3A_179 = tpu.memref_squeeze %dma_wait3A_178 : memref<1x!tpu.dma_semaphore, #tpu.memory_space<semaphore_mem>> -> memref<!tpu.dma_semaphore, #tpu.memory_space<semaphore_mem>>
      tpu.wait_indirect_dma semaphore(%dma_wait3A_179 : memref<!tpu.dma_semaphore, #tpu.memory_space<semaphore_mem>>) src(%dma_wait3A_177 : memref<10000x64xi32, #tpu.memory_space<hbm>>) dst(%dma_wait3A_172 : memref<80x64xi32, #tpu.memory_space<vmem>>)
      %gt3A = arith.constant 0 : i32
      %gt3A_180 = arith.cmpi sgt, %add3A_149, %gt3A : i32
      %convert_element_type3A = arith.extui %gt3A_180 : i1 to i32
      %cond3A = arith.constant 0 : i32
      %cond3A_181 = arith.cmpi ne, %convert_element_type3A, %cond3A : i32
      scf.if %cond3A_181 {
        %dma_wait3A_269 = arith.constant 0 : i32
        %dma_wait3A_270 = arith.constant 0 : i32
        %dma_wait3A_271 = arith.constant 0 : i32
        %dma_wait3A_272 = arith.constant 0 : i32
        %dma_wait3A_273 = tpu.memref_slice %arg10[%dma_wait3A_269, %dma_wait3A_271, %dma_wait3A_272] : memref<2x40x128xi32, #tpu.memory_space<vmem>> -> memref<1x40x128xi32, #tpu.memory_space<vmem>>
        %dma_wait3A_274 = tpu.memref_squeeze %dma_wait3A_273 : memref<1x40x128xi32, #tpu.memory_space<vmem>> -> memref<40x128xi32, #tpu.memory_space<vmem>>
        %dma_wait3A_275 = arith.constant 0 : i32
        %dma_wait3A_276 = tpu.memref_slice %arg5[%mul3A_2, %dma_wait3A_275] : memref<320000x128xi32, #tpu.memory_space<hbm>> -> memref<40x128xi32, #tpu.memory_space<hbm>>
        %dma_wait3A_277 = tpu.memref_slice %arg13[%dma_wait3A_270] : memref<2x!tpu.dma_semaphore, #tpu.memory_space<semaphore_mem>> -> memref<1x!tpu.dma_semaphore, #tpu.memory_space<semaphore_mem>>
        %dma_wait3A_278 = tpu.memref_squeeze %dma_wait3A_277 : memref<1x!tpu.dma_semaphore, #tpu.memory_space<semaphore_mem>> -> memref<!tpu.dma_semaphore, #tpu.memory_space<semaphore_mem>>
        %dma_wait3A_279 = arith.constant 0 : i32
        %dma_wait3A_280 = tpu.memref_slice %arg5[%mul3A_2, %dma_wait3A_279] : memref<320000x128xi32, #tpu.memory_space<hbm>> -> memref<40x128xi32, #tpu.memory_space<hbm>>
        %dma_wait3A_281 = arith.constant 0 : i32
        %dma_wait3A_282 = arith.constant 0 : i32
        %dma_wait3A_283 = tpu.memref_slice %arg10[%dma_wait3A_269, %dma_wait3A_281, %dma_wait3A_282] : memref<2x40x128xi32, #tpu.memory_space<vmem>> -> memref<1x40x128xi32, #tpu.memory_space<vmem>>
        %dma_wait3A_284 = tpu.memref_squeeze %dma_wait3A_283 : memref<1x40x128xi32, #tpu.memory_space<vmem>> -> memref<40x128xi32, #tpu.memory_space<vmem>>
        tpu.wait_dma2 semaphore(%dma_wait3A_278 : memref<!tpu.dma_semaphore, #tpu.memory_space<semaphore_mem>>) src(%dma_wait3A_284 : memref<40x128xi32, #tpu.memory_space<vmem>>) dst(%dma_wait3A_280 : memref<40x128xi32, #tpu.memory_space<hbm>>)
      } else {
      }
      %parallel_loop3A = arith.constant 0 : i32
      %parallel_loop3A_182 = arith.constant 40 : i32
      %parallel_loop3A_183 = arith.constant 1 : i32
      scf.for %parallel_loop3A_269 = %parallel_loop3A to %parallel_loop3A_182 step %parallel_loop3A_183  : i32 {
        %parallel_loop3A_270 = arith.constant 0 : i32
        %parallel_loop3A_271 = arith.addi %parallel_loop3A_269, %parallel_loop3A_270 : i32
        %parallel_loop3A_272 = arith.constant 0 : i32
        %parallel_loop3A_273 = arith.index_cast %parallel_loop3A_272 : i32 to index
        %parallel_loop3A_274 = arith.index_cast %parallel_loop3A_271 : i32 to index
        %parallel_loop3A_275 = arith.constant 0 : index
        %parallel_loop3A_276 = tpu.vector_load %arg8[%parallel_loop3A_273, %parallel_loop3A_274, %parallel_loop3A_275] {strides = array<i32>} : memref<2x80x64xi32, #tpu.memory_space<vmem>>, vector<16xi32>,
        %parallel_loop3A_277 = vector.bitcast %parallel_loop3A_276 : vector<16xi32> to vector<32xbf16>
        %parallel_loop3A_278 = arith.constant 0 : i32
        %parallel_loop3A_279 = arith.index_cast %parallel_loop3A_278 : i32 to index
        %parallel_loop3A_280 = arith.index_cast %parallel_loop3A_271 : i32 to index
        %parallel_loop3A_281 = arith.constant 0 : index
        %parallel_loop3A_282 = tpu.vector_load %arg9[%parallel_loop3A_279, %parallel_loop3A_280, %parallel_loop3A_281] {strides = array<i32>} : memref<2x80x64xi32, #tpu.memory_space<vmem>>, vector<16xi32>,
        %parallel_loop3A_283 = vector.bitcast %parallel_loop3A_282 : vector<16xi32> to vector<32xbf16>
        %parallel_loop3A_284 = arith.mulf %parallel_loop3A_277, %parallel_loop3A_283 : vector<32xbf16>
        %parallel_loop3A_285 = arith.constant 0.000000e+00 : bf16
        %parallel_loop3A_286 = vector.broadcast %parallel_loop3A_285 : bf16 to vector<32xbf16>
        %parallel_loop3A_287 = arith.maximumf %parallel_loop3A_284, %parallel_loop3A_286 : vector<32xbf16>
        %parallel_loop3A_288 = vector.bitcast %parallel_loop3A_287 : vector<32xbf16> to vector<16xi32>
        %parallel_loop3A_289 = arith.constant 0 : i32
        %parallel_loop3A_290 = arith.index_cast %parallel_loop3A_289 : i32 to index
        %parallel_loop3A_291 = arith.index_cast %parallel_loop3A_269 : i32 to index
        %parallel_loop3A_292 = arith.constant 0 : index
        %parallel_loop3A_293 = tpu.vector_load %arg10[%parallel_loop3A_290, %parallel_loop3A_291, %parallel_loop3A_292] {strides = array<i32>} : memref<2x40x128xi32, #tpu.memory_space<vmem>>, vector<16xi32>,
        tpu.vector_store %arg10[%parallel_loop3A_290, %parallel_loop3A_291, %parallel_loop3A_292], %parallel_loop3A_288 {strides = array<i32>} : memref<2x40x128xi32, #tpu.memory_space<vmem>>, vector<16xi32>,
        %parallel_loop3A_294 = arith.constant 0 : i32
        %parallel_loop3A_295 = arith.index_cast %parallel_loop3A_294 : i32 to index
        %parallel_loop3A_296 = arith.index_cast %parallel_loop3A_271 : i32 to index
        %parallel_loop3A_297 = arith.constant 16 : index
        %parallel_loop3A_298 = tpu.vector_load %arg8[%parallel_loop3A_295, %parallel_loop3A_296, %parallel_loop3A_297] {strides = array<i32>} : memref<2x80x64xi32, #tpu.memory_space<vmem>>, vector<16xi32>,
        %parallel_loop3A_299 = vector.bitcast %parallel_loop3A_298 : vector<16xi32> to vector<32xbf16>
        %parallel_loop3A_300 = arith.constant 0 : i32
        %parallel_loop3A_301 = arith.index_cast %parallel_loop3A_300 : i32 to index
        %parallel_loop3A_302 = arith.index_cast %parallel_loop3A_271 : i32 to index
        %parallel_loop3A_303 = arith.constant 16 : index
        %parallel_loop3A_304 = tpu.vector_load %arg9[%parallel_loop3A_301, %parallel_loop3A_302, %parallel_loop3A_303] {strides = array<i32>} : memref<2x80x64xi32, #tpu.memory_space<vmem>>, vector<16xi32>,
        %parallel_loop3A_305 = vector.bitcast %parallel_loop3A_304 : vector<16xi32> to vector<32xbf16>
        %parallel_loop3A_306 = arith.mulf %parallel_loop3A_299, %parallel_loop3A_305 : vector<32xbf16>
        %parallel_loop3A_307 = arith.constant 0.000000e+00 : bf16
        %parallel_loop3A_308 = vector.broadcast %parallel_loop3A_307 : bf16 to vector<32xbf16>
        %parallel_loop3A_309 = arith.maximumf %parallel_loop3A_306, %parallel_loop3A_308 : vector<32xbf16>
        %parallel_loop3A_310 = vector.bitcast %parallel_loop3A_309 : vector<32xbf16> to vector<16xi32>
        %parallel_loop3A_311 = arith.constant 0 : i32
        %parallel_loop3A_312 = arith.index_cast %parallel_loop3A_311 : i32 to index
        %parallel_loop3A_313 = arith.index_cast %parallel_loop3A_269 : i32 to index
        %parallel_loop3A_314 = arith.constant 16 : index
        %parallel_loop3A_315 = tpu.vector_load %arg10[%parallel_loop3A_312, %parallel_loop3A_313, %parallel_loop3A_314] {strides = array<i32>} : memref<2x40x128xi32, #tpu.memory_space<vmem>>, vector<16xi32>,
        tpu.vector_store %arg10[%parallel_loop3A_312, %parallel_loop3A_313, %parallel_loop3A_314], %parallel_loop3A_310 {strides = array<i32>} : memref<2x40x128xi32, #tpu.memory_space<vmem>>, vector<16xi32>,
        %parallel_loop3A_316 = arith.constant 0 : i32
        %parallel_loop3A_317 = arith.index_cast %parallel_loop3A_316 : i32 to index
        %parallel_loop3A_318 = arith.index_cast %parallel_loop3A_271 : i32 to index
        %parallel_loop3A_319 = arith.constant 32 : index
        %parallel_loop3A_320 = tpu.vector_load %arg8[%parallel_loop3A_317, %parallel_loop3A_318, %parallel_loop3A_319] {strides = array<i32>} : memref<2x80x64xi32, #tpu.memory_space<vmem>>, vector<16xi32>,
        %parallel_loop3A_321 = vector.bitcast %parallel_loop3A_320 : vector<16xi32> to vector<32xbf16>
        %parallel_loop3A_322 = arith.constant 0 : i32
        %parallel_loop3A_323 = arith.index_cast %parallel_loop3A_322 : i32 to index
        %parallel_loop3A_324 = arith.index_cast %parallel_loop3A_271 : i32 to index
        %parallel_loop3A_325 = arith.constant 32 : index
        %parallel_loop3A_326 = tpu.vector_load %arg9[%parallel_loop3A_323, %parallel_loop3A_324, %parallel_loop3A_325] {strides = array<i32>} : memref<2x80x64xi32, #tpu.memory_space<vmem>>, vector<16xi32>,
        %parallel_loop3A_327 = vector.bitcast %parallel_loop3A_326 : vector<16xi32> to vector<32xbf16>
        %parallel_loop3A_328 = arith.mulf %parallel_loop3A_321, %parallel_loop3A_327 : vector<32xbf16>
        %parallel_loop3A_329 = arith.constant 0.000000e+00 : bf16
        %parallel_loop3A_330 = vector.broadcast %parallel_loop3A_329 : bf16 to vector<32xbf16>
        %parallel_loop3A_331 = arith.maximumf %parallel_loop3A_328, %parallel_loop3A_330 : vector<32xbf16>
        %parallel_loop3A_332 = vector.bitcast %parallel_loop3A_331 : vector<32xbf16> to vector<16xi32>
        %parallel_loop3A_333 = arith.constant 0 : i32
        %parallel_loop3A_334 = arith.index_cast %parallel_loop3A_333 : i32 to index
        %parallel_loop3A_335 = arith.index_cast %parallel_loop3A_269 : i32 to index
        %parallel_loop3A_336 = arith.constant 32 : index
        %parallel_loop3A_337 = tpu.vector_load %arg10[%parallel_loop3A_334, %parallel_loop3A_335, %parallel_loop3A_336] {strides = array<i32>} : memref<2x40x128xi32, #tpu.memory_space<vmem>>, vector<16xi32>,
        tpu.vector_store %arg10[%parallel_loop3A_334, %parallel_loop3A_335, %parallel_loop3A_336], %parallel_loop3A_332 {strides = array<i32>} : memref<2x40x128xi32, #tpu.memory_space<vmem>>, vector<16xi32>,
        %parallel_loop3A_338 = arith.constant 0 : i32
        %parallel_loop3A_339 = arith.index_cast %parallel_loop3A_338 : i32 to index
        %parallel_loop3A_340 = arith.index_cast %parallel_loop3A_271 : i32 to index
        %parallel_loop3A_341 = arith.constant 48 : index
        %parallel_loop3A_342 = tpu.vector_load %arg8[%parallel_loop3A_339, %parallel_loop3A_340, %parallel_loop3A_341] {strides = array<i32>} : memref<2x80x64xi32, #tpu.memory_space<vmem>>, vector<16xi32>,
        %parallel_loop3A_343 = vector.bitcast %parallel_loop3A_342 : vector<16xi32> to vector<32xbf16>
        %parallel_loop3A_344 = arith.constant 0 : i32
        %parallel_loop3A_345 = arith.index_cast %parallel_loop3A_344 : i32 to index
        %parallel_loop3A_346 = arith.index_cast %parallel_loop3A_271 : i32 to index
        %parallel_loop3A_347 = arith.constant 48 : index
        %parallel_loop3A_348 = tpu.vector_load %arg9[%parallel_loop3A_345, %parallel_loop3A_346, %parallel_loop3A_347] {strides = array<i32>} : memref<2x80x64xi32, #tpu.memory_space<vmem>>, vector<16xi32>,
        %parallel_loop3A_349 = vector.bitcast %parallel_loop3A_348 : vector<16xi32> to vector<32xbf16>
        %parallel_loop3A_350 = arith.mulf %parallel_loop3A_343, %parallel_loop3A_349 : vector<32xbf16>
        %parallel_loop3A_351 = arith.constant 0.000000e+00 : bf16
        %parallel_loop3A_352 = vector.broadcast %parallel_loop3A_351 : bf16 to vector<32xbf16>
        %parallel_loop3A_353 = arith.maximumf %parallel_loop3A_350, %parallel_loop3A_352 : vector<32xbf16>
        %parallel_loop3A_354 = vector.bitcast %parallel_loop3A_353 : vector<32xbf16> to vector<16xi32>
        %parallel_loop3A_355 = arith.constant 0 : i32
        %parallel_loop3A_356 = arith.index_cast %parallel_loop3A_355 : i32 to index
        %parallel_loop3A_357 = arith.index_cast %parallel_loop3A_269 : i32 to index
        %parallel_loop3A_358 = arith.constant 48 : index
        %parallel_loop3A_359 = tpu.vector_load %arg10[%parallel_loop3A_356, %parallel_loop3A_357, %parallel_loop3A_358] {strides = array<i32>} : memref<2x40x128xi32, #tpu.memory_space<vmem>>, vector<16xi32>,
        tpu.vector_store %arg10[%parallel_loop3A_356, %parallel_loop3A_357, %parallel_loop3A_358], %parallel_loop3A_354 {strides = array<i32>} : memref<2x40x128xi32, #tpu.memory_space<vmem>>, vector<16xi32>,
        %parallel_loop3A_360 = arith.constant 40 : i32
        %parallel_loop3A_361 = arith.addi %parallel_loop3A_269, %parallel_loop3A_360 : i32
        %parallel_loop3A_362 = arith.constant 0 : i32
        %parallel_loop3A_363 = arith.index_cast %parallel_loop3A_362 : i32 to index
        %parallel_loop3A_364 = arith.index_cast %parallel_loop3A_361 : i32 to index
        %parallel_loop3A_365 = arith.constant 0 : index
        %parallel_loop3A_366 = tpu.vector_load %arg8[%parallel_loop3A_363, %parallel_loop3A_364, %parallel_loop3A_365] {strides = array<i32>} : memref<2x80x64xi32, #tpu.memory_space<vmem>>, vector<16xi32>,
        %parallel_loop3A_367 = vector.bitcast %parallel_loop3A_366 : vector<16xi32> to vector<32xbf16>
        %parallel_loop3A_368 = arith.constant 0 : i32
        %parallel_loop3A_369 = arith.index_cast %parallel_loop3A_368 : i32 to index
        %parallel_loop3A_370 = arith.index_cast %parallel_loop3A_361 : i32 to index
        %parallel_loop3A_371 = arith.constant 0 : index
        %parallel_loop3A_372 = tpu.vector_load %arg9[%parallel_loop3A_369, %parallel_loop3A_370, %parallel_loop3A_371] {strides = array<i32>} : memref<2x80x64xi32, #tpu.memory_space<vmem>>, vector<16xi32>,
        %parallel_loop3A_373 = vector.bitcast %parallel_loop3A_372 : vector<16xi32> to vector<32xbf16>
        %parallel_loop3A_374 = arith.mulf %parallel_loop3A_367, %parallel_loop3A_373 : vector<32xbf16>
        %parallel_loop3A_375 = arith.constant 0.000000e+00 : bf16
        %parallel_loop3A_376 = vector.broadcast %parallel_loop3A_375 : bf16 to vector<32xbf16>
        %parallel_loop3A_377 = arith.maximumf %parallel_loop3A_374, %parallel_loop3A_376 : vector<32xbf16>
        %parallel_loop3A_378 = vector.bitcast %parallel_loop3A_377 : vector<32xbf16> to vector<16xi32>
        %parallel_loop3A_379 = arith.constant 0 : i32
        %parallel_loop3A_380 = arith.index_cast %parallel_loop3A_379 : i32 to index
        %parallel_loop3A_381 = arith.index_cast %parallel_loop3A_269 : i32 to index
        %parallel_loop3A_382 = arith.constant 64 : index
        %parallel_loop3A_383 = tpu.vector_load %arg10[%parallel_loop3A_380, %parallel_loop3A_381, %parallel_loop3A_382] {strides = array<i32>} : memref<2x40x128xi32, #tpu.memory_space<vmem>>, vector<16xi32>,
        tpu.vector_store %arg10[%parallel_loop3A_380, %parallel_loop3A_381, %parallel_loop3A_382], %parallel_loop3A_378 {strides = array<i32>} : memref<2x40x128xi32, #tpu.memory_space<vmem>>, vector<16xi32>,
        %parallel_loop3A_384 = arith.constant 0 : i32
        %parallel_loop3A_385 = arith.index_cast %parallel_loop3A_384 : i32 to index
        %parallel_loop3A_386 = arith.index_cast %parallel_loop3A_361 : i32 to index
        %parallel_loop3A_387 = arith.constant 16 : index
        %parallel_loop3A_388 = tpu.vector_load %arg8[%parallel_loop3A_385, %parallel_loop3A_386, %parallel_loop3A_387] {strides = array<i32>} : memref<2x80x64xi32, #tpu.memory_space<vmem>>, vector<16xi32>,
        %parallel_loop3A_389 = vector.bitcast %parallel_loop3A_388 : vector<16xi32> to vector<32xbf16>
        %parallel_loop3A_390 = arith.constant 0 : i32
        %parallel_loop3A_391 = arith.index_cast %parallel_loop3A_390 : i32 to index
        %parallel_loop3A_392 = arith.index_cast %parallel_loop3A_361 : i32 to index
        %parallel_loop3A_393 = arith.constant 16 : index
        %parallel_loop3A_394 = tpu.vector_load %arg9[%parallel_loop3A_391, %parallel_loop3A_392, %parallel_loop3A_393] {strides = array<i32>} : memref<2x80x64xi32, #tpu.memory_space<vmem>>, vector<16xi32>,
        %parallel_loop3A_395 = vector.bitcast %parallel_loop3A_394 : vector<16xi32> to vector<32xbf16>
        %parallel_loop3A_396 = arith.mulf %parallel_loop3A_389, %parallel_loop3A_395 : vector<32xbf16>
        %parallel_loop3A_397 = arith.constant 0.000000e+00 : bf16
        %parallel_loop3A_398 = vector.broadcast %parallel_loop3A_397 : bf16 to vector<32xbf16>
        %parallel_loop3A_399 = arith.maximumf %parallel_loop3A_396, %parallel_loop3A_398 : vector<32xbf16>
        %parallel_loop3A_400 = vector.bitcast %parallel_loop3A_399 : vector<32xbf16> to vector<16xi32>
        %parallel_loop3A_401 = arith.constant 0 : i32
        %parallel_loop3A_402 = arith.index_cast %parallel_loop3A_401 : i32 to index
        %parallel_loop3A_403 = arith.index_cast %parallel_loop3A_269 : i32 to index
        %parallel_loop3A_404 = arith.constant 80 : index
        %parallel_loop3A_405 = tpu.vector_load %arg10[%parallel_loop3A_402, %parallel_loop3A_403, %parallel_loop3A_404] {strides = array<i32>} : memref<2x40x128xi32, #tpu.memory_space<vmem>>, vector<16xi32>,
        tpu.vector_store %arg10[%parallel_loop3A_402, %parallel_loop3A_403, %parallel_loop3A_404], %parallel_loop3A_400 {strides = array<i32>} : memref<2x40x128xi32, #tpu.memory_space<vmem>>, vector<16xi32>,
        %parallel_loop3A_406 = arith.constant 0 : i32
        %parallel_loop3A_407 = arith.index_cast %parallel_loop3A_406 : i32 to index
        %parallel_loop3A_408 = arith.index_cast %parallel_loop3A_361 : i32 to index
        %parallel_loop3A_409 = arith.constant 32 : index
        %parallel_loop3A_410 = tpu.vector_load %arg8[%parallel_loop3A_407, %parallel_loop3A_408, %parallel_loop3A_409] {strides = array<i32>} : memref<2x80x64xi32, #tpu.memory_space<vmem>>, vector<16xi32>,
        %parallel_loop3A_411 = vector.bitcast %parallel_loop3A_410 : vector<16xi32> to vector<32xbf16>
        %parallel_loop3A_412 = arith.constant 0 : i32
        %parallel_loop3A_413 = arith.index_cast %parallel_loop3A_412 : i32 to index
        %parallel_loop3A_414 = arith.index_cast %parallel_loop3A_361 : i32 to index
        %parallel_loop3A_415 = arith.constant 32 : index
        %parallel_loop3A_416 = tpu.vector_load %arg9[%parallel_loop3A_413, %parallel_loop3A_414, %parallel_loop3A_415] {strides = array<i32>} : memref<2x80x64xi32, #tpu.memory_space<vmem>>, vector<16xi32>,
        %parallel_loop3A_417 = vector.bitcast %parallel_loop3A_416 : vector<16xi32> to vector<32xbf16>
        %parallel_loop3A_418 = arith.mulf %parallel_loop3A_411, %parallel_loop3A_417 : vector<32xbf16>
        %parallel_loop3A_419 = arith.constant 0.000000e+00 : bf16
        %parallel_loop3A_420 = vector.broadcast %parallel_loop3A_419 : bf16 to vector<32xbf16>
        %parallel_loop3A_421 = arith.maximumf %parallel_loop3A_418, %parallel_loop3A_420 : vector<32xbf16>
        %parallel_loop3A_422 = vector.bitcast %parallel_loop3A_421 : vector<32xbf16> to vector<16xi32>
        %parallel_loop3A_423 = arith.constant 0 : i32
        %parallel_loop3A_424 = arith.index_cast %parallel_loop3A_423 : i32 to index
        %parallel_loop3A_425 = arith.index_cast %parallel_loop3A_269 : i32 to index
        %parallel_loop3A_426 = arith.constant 96 : index
        %parallel_loop3A_427 = tpu.vector_load %arg10[%parallel_loop3A_424, %parallel_loop3A_425, %parallel_loop3A_426] {strides = array<i32>} : memref<2x40x128xi32, #tpu.memory_space<vmem>>, vector<16xi32>,
        tpu.vector_store %arg10[%parallel_loop3A_424, %parallel_loop3A_425, %parallel_loop3A_426], %parallel_loop3A_422 {strides = array<i32>} : memref<2x40x128xi32, #tpu.memory_space<vmem>>, vector<16xi32>,
        %parallel_loop3A_428 = arith.constant 0 : i32
        %parallel_loop3A_429 = arith.index_cast %parallel_loop3A_428 : i32 to index
        %parallel_loop3A_430 = arith.index_cast %parallel_loop3A_361 : i32 to index
        %parallel_loop3A_431 = arith.constant 48 : index
        %parallel_loop3A_432 = tpu.vector_load %arg8[%parallel_loop3A_429, %parallel_loop3A_430, %parallel_loop3A_431] {strides = array<i32>} : memref<2x80x64xi32, #tpu.memory_space<vmem>>, vector<16xi32>,
        %parallel_loop3A_433 = vector.bitcast %parallel_loop3A_432 : vector<16xi32> to vector<32xbf16>
        %parallel_loop3A_434 = arith.constant 0 : i32
        %parallel_loop3A_435 = arith.index_cast %parallel_loop3A_434 : i32 to index
        %parallel_loop3A_436 = arith.index_cast %parallel_loop3A_361 : i32 to index
        %parallel_loop3A_437 = arith.constant 48 : index
        %parallel_loop3A_438 = tpu.vector_load %arg9[%parallel_loop3A_435, %parallel_loop3A_436, %parallel_loop3A_437] {strides = array<i32>} : memref<2x80x64xi32, #tpu.memory_space<vmem>>, vector<16xi32>,
        %parallel_loop3A_439 = vector.bitcast %parallel_loop3A_438 : vector<16xi32> to vector<32xbf16>
        %parallel_loop3A_440 = arith.mulf %parallel_loop3A_433, %parallel_loop3A_439 : vector<32xbf16>
        %parallel_loop3A_441 = arith.constant 0.000000e+00 : bf16
        %parallel_loop3A_442 = vector.broadcast %parallel_loop3A_441 : bf16 to vector<32xbf16>
        %parallel_loop3A_443 = arith.maximumf %parallel_loop3A_440, %parallel_loop3A_442 : vector<32xbf16>
        %parallel_loop3A_444 = vector.bitcast %parallel_loop3A_443 : vector<32xbf16> to vector<16xi32>
        %parallel_loop3A_445 = arith.constant 0 : i32
        %parallel_loop3A_446 = arith.index_cast %parallel_loop3A_445 : i32 to index
        %parallel_loop3A_447 = arith.index_cast %parallel_loop3A_269 : i32 to index
        %parallel_loop3A_448 = arith.constant 112 : index
        %parallel_loop3A_449 = tpu.vector_load %arg10[%parallel_loop3A_446, %parallel_loop3A_447, %parallel_loop3A_448] {strides = array<i32>} : memref<2x40x128xi32, #tpu.memory_space<vmem>>, vector<16xi32>,
        tpu.vector_store %arg10[%parallel_loop3A_446, %parallel_loop3A_447, %parallel_loop3A_448], %parallel_loop3A_444 {strides = array<i32>} : memref<2x40x128xi32, #tpu.memory_space<vmem>>, vector<16xi32>,
      } {sc.loop_unroll_factor = 2 : i64, sc.parallel_access}
      %mul3A_184 = arith.constant 40 : i32
      %mul3A_185 = arith.muli %add3A_153, %mul3A_184 : i32
      %add3A_186 = arith.addi %mul3A_2, %mul3A_185 : i32
      %dma_start3A_187 = arith.constant 0 : i32
      %dma_start3A_188 = arith.constant 0 : i32
      %dma_start3A_189 = arith.constant 0 : i32
      %dma_start3A_190 = arith.constant 0 : i32
      %dma_start3A_191 = tpu.memref_slice %arg10[%dma_start3A_187, %dma_start3A_189, %dma_start3A_190] : memref<2x40x128xi32, #tpu.memory_space<vmem>> -> memref<1x40x128xi32, #tpu.memory_space<vmem>>
      %dma_start3A_192 = tpu.memref_squeeze %dma_start3A_191 : memref<1x40x128xi32, #tpu.memory_space<vmem>> -> memref<40x128xi32, #tpu.memory_space<vmem>>
      %dma_start3A_193 = arith.constant 0 : i32
      %dma_start3A_194 = tpu.memref_slice %arg5[%add3A_186, %dma_start3A_193] : memref<320000x128xi32, #tpu.memory_space<hbm>> -> memref<40x128xi32, #tpu.memory_space<hbm>>
      %dma_start3A_195 = tpu.memref_slice %arg13[%dma_start3A_188] : memref<2x!tpu.dma_semaphore, #tpu.memory_space<semaphore_mem>> -> memref<1x!tpu.dma_semaphore, #tpu.memory_space<semaphore_mem>>
      %dma_start3A_196 = tpu.memref_squeeze %dma_start3A_195 : memref<1x!tpu.dma_semaphore, #tpu.memory_space<semaphore_mem>> -> memref<!tpu.dma_semaphore, #tpu.memory_space<semaphore_mem>>
      %dma_start3A_197 = arith.constant 0 : i32
      %dma_start3A_198 = tpu.memref_slice %arg5[%add3A_186, %dma_start3A_197] : memref<320000x128xi32, #tpu.memory_space<hbm>> -> memref<40x128xi32, #tpu.memory_space<hbm>>
      %dma_start3A_199 = arith.constant 0 : i32
      %dma_start3A_200 = arith.constant 0 : i32
      %dma_start3A_201 = tpu.memref_slice %arg10[%dma_start3A_187, %dma_start3A_199, %dma_start3A_200] : memref<2x40x128xi32, #tpu.memory_space<vmem>> -> memref<1x40x128xi32, #tpu.memory_space<vmem>>
      %dma_start3A_202 = tpu.memref_squeeze %dma_start3A_201 : memref<1x40x128xi32, #tpu.memory_space<vmem>> -> memref<40x128xi32, #tpu.memory_space<vmem>>
      tpu.enqueue_dma source(%dma_start3A_202 : memref<40x128xi32, #tpu.memory_space<vmem>>) target(%dma_start3A_198 : memref<40x128xi32, #tpu.memory_space<hbm>>) target_semaphore(%dma_start3A_196 : memref<!tpu.dma_semaphore, #tpu.memory_space<semaphore_mem>>)
      %lt3A = arith.constant 124 : i32
      %lt3A_203 = arith.cmpi slt, %add3A_149, %lt3A : i32
      %convert_element_type3A_204 = arith.extui %lt3A_203 : i1 to i32
      %cond3A_205 = arith.constant 0 : i32
      %cond3A_206 = arith.cmpi ne, %convert_element_type3A_204, %cond3A_205 : i32
      scf.if %cond3A_206 {
        %add3A_269 = arith.constant 2 : i32
        %add3A_270 = arith.addi %add3A_153, %add3A_269 : i32
        %mul3A_271 = arith.constant 40 : i32
        %mul3A_272 = arith.muli %add3A_270, %mul3A_271 : i32
        %dma_start3A_273 = arith.constant 0 : i32
        %dma_start3A_274 = arith.constant 0 : i32
        %dma_start3A_275 = arith.constant 0 : i32
        %dma_start3A_276 = arith.constant 0 : i32
        %dma_start3A_277 = tpu.memref_slice %arg8[%dma_start3A_273, %dma_start3A_275, %dma_start3A_276] : memref<2x80x64xi32, #tpu.memory_space<vmem>> -> memref<1x40x64xi32, #tpu.memory_space<vmem>>
        %dma_start3A_278 = tpu.memref_squeeze %dma_start3A_277 : memref<1x40x64xi32, #tpu.memory_space<vmem>> -> memref<40x64xi32, #tpu.memory_space<vmem>>
        %dma_start3A_279 = tpu.memref_slice %arg6[%mul3A_272] : memref<20000xi32, #tpu.memory_space<vmem>> -> memref<40xi32, #tpu.memory_space<vmem>>
        %dma_start3A_280 = arith.constant 0 : i32
        %dma_start3A_281 = arith.constant 0 : i32
        %dma_start3A_282 = tpu.memref_slice %arg4[%dma_start3A_280, %dma_start3A_281] : memref<10000x64xi32, #tpu.memory_space<hbm>> -> memref<10000x64xi32, #tpu.memory_space<hbm>>
        %dma_start3A_283 = tpu.memref_slice %arg11[%dma_start3A_274] : memref<2x!tpu.dma_semaphore, #tpu.memory_space<semaphore_mem>> -> memref<1x!tpu.dma_semaphore, #tpu.memory_space<semaphore_mem>>
        %dma_start3A_284 = tpu.memref_squeeze %dma_start3A_283 : memref<1x!tpu.dma_semaphore, #tpu.memory_space<semaphore_mem>> -> memref<!tpu.dma_semaphore, #tpu.memory_space<semaphore_mem>>
        tpu.enqueue_indirect_dma source(%dma_start3A_282 : memref<10000x64xi32, #tpu.memory_space<hbm>>) target(%dma_start3A_278 : memref<40x64xi32, #tpu.memory_space<vmem>>) offsets(%dma_start3A_279 : memref<40xi32, #tpu.memory_space<vmem>>) semaphore(%dma_start3A_284 : memref<!tpu.dma_semaphore, #tpu.memory_space<semaphore_mem>>)
        %add3A_285 = arith.constant 10000 : i32
        %add3A_286 = arith.addi %add3A_285, %mul3A_272 : i32
        %dma_start3A_287 = arith.constant 0 : i32
        %dma_start3A_288 = arith.constant 0 : i32
        %dma_start3A_289 = arith.constant 40 : i32
        %dma_start3A_290 = arith.constant 0 : i32
        %dma_start3A_291 = tpu.memref_slice %arg8[%dma_start3A_287, %dma_start3A_289, %dma_start3A_290] : memref<2x80x64xi32, #tpu.memory_space<vmem>> -> memref<1x40x64xi32, #tpu.memory_space<vmem>>
        %dma_start3A_292 = tpu.memref_squeeze %dma_start3A_291 : memref<1x40x64xi32, #tpu.memory_space<vmem>> -> memref<40x64xi32, #tpu.memory_space<vmem>>
        %dma_start3A_293 = tpu.memref_slice %arg6[%add3A_286] : memref<20000xi32, #tpu.memory_space<vmem>> -> memref<40xi32, #tpu.memory_space<vmem>>
        %dma_start3A_294 = arith.constant 0 : i32
        %dma_start3A_295 = arith.constant 0 : i32
        %dma_start3A_296 = tpu.memref_slice %arg4[%dma_start3A_294, %dma_start3A_295] : memref<10000x64xi32, #tpu.memory_space<hbm>> -> memref<10000x64xi32, #tpu.memory_space<hbm>>
        %dma_start3A_297 = tpu.memref_slice %arg11[%dma_start3A_288] : memref<2x!tpu.dma_semaphore, #tpu.memory_space<semaphore_mem>> -> memref<1x!tpu.dma_semaphore, #tpu.memory_space<semaphore_mem>>
        %dma_start3A_298 = tpu.memref_squeeze %dma_start3A_297 : memref<1x!tpu.dma_semaphore, #tpu.memory_space<semaphore_mem>> -> memref<!tpu.dma_semaphore, #tpu.memory_space<semaphore_mem>>
        tpu.enqueue_indirect_dma source(%dma_start3A_296 : memref<10000x64xi32, #tpu.memory_space<hbm>>) target(%dma_start3A_292 : memref<40x64xi32, #tpu.memory_space<vmem>>) offsets(%dma_start3A_293 : memref<40xi32, #tpu.memory_space<vmem>>) semaphore(%dma_start3A_298 : memref<!tpu.dma_semaphore, #tpu.memory_space<semaphore_mem>>)
        %dma_start3A_299 = arith.constant 0 : i32
        %dma_start3A_300 = arith.constant 0 : i32
        %dma_start3A_301 = arith.constant 0 : i32
        %dma_start3A_302 = arith.constant 0 : i32
        %dma_start3A_303 = tpu.memref_slice %arg9[%dma_start3A_299, %dma_start3A_301, %dma_start3A_302] : memref<2x80x64xi32, #tpu.memory_space<vmem>> -> memref<1x40x64xi32, #tpu.memory_space<vmem>>
        %dma_start3A_304 = tpu.memref_squeeze %dma_start3A_303 : memref<1x40x64xi32, #tpu.memory_space<vmem>> -> memref<40x64xi32, #tpu.memory_space<vmem>>
        %dma_start3A_305 = tpu.memref_slice %arg7[%mul3A_272] : memref<20000xi32, #tpu.memory_space<vmem>> -> memref<40xi32, #tpu.memory_space<vmem>>
        %dma_start3A_306 = arith.constant 0 : i32
        %dma_start3A_307 = arith.constant 0 : i32
        %dma_start3A_308 = tpu.memref_slice %arg4[%dma_start3A_306, %dma_start3A_307] : memref<10000x64xi32, #tpu.memory_space<hbm>> -> memref<10000x64xi32, #tpu.memory_space<hbm>>
        %dma_start3A_309 = tpu.memref_slice %arg12[%dma_start3A_300] : memref<2x!tpu.dma_semaphore, #tpu.memory_space<semaphore_mem>> -> memref<1x!tpu.dma_semaphore, #tpu.memory_space<semaphore_mem>>
        %dma_start3A_310 = tpu.memref_squeeze %dma_start3A_309 : memref<1x!tpu.dma_semaphore, #tpu.memory_space<semaphore_mem>> -> memref<!tpu.dma_semaphore, #tpu.memory_space<semaphore_mem>>
        tpu.enqueue_indirect_dma source(%dma_start3A_308 : memref<10000x64xi32, #tpu.memory_space<hbm>>) target(%dma_start3A_304 : memref<40x64xi32, #tpu.memory_space<vmem>>) offsets(%dma_start3A_305 : memref<40xi32, #tpu.memory_space<vmem>>) semaphore(%dma_start3A_310 : memref<!tpu.dma_semaphore, #tpu.memory_space<semaphore_mem>>)
        %add3A_311 = arith.constant 10000 : i32
        %add3A_312 = arith.addi %add3A_311, %mul3A_272 : i32
        %dma_start3A_313 = arith.constant 0 : i32
        %dma_start3A_314 = arith.constant 0 : i32
        %dma_start3A_315 = arith.constant 40 : i32
        %dma_start3A_316 = arith.constant 0 : i32
        %dma_start3A_317 = tpu.memref_slice %arg9[%dma_start3A_313, %dma_start3A_315, %dma_start3A_316] : memref<2x80x64xi32, #tpu.memory_space<vmem>> -> memref<1x40x64xi32, #tpu.memory_space<vmem>>
        %dma_start3A_318 = tpu.memref_squeeze %dma_start3A_317 : memref<1x40x64xi32, #tpu.memory_space<vmem>> -> memref<40x64xi32, #tpu.memory_space<vmem>>
        %dma_start3A_319 = tpu.memref_slice %arg7[%add3A_312] : memref<20000xi32, #tpu.memory_space<vmem>> -> memref<40xi32, #tpu.memory_space<vmem>>
        %dma_start3A_320 = arith.constant 0 : i32
        %dma_start3A_321 = arith.constant 0 : i32
        %dma_start3A_322 = tpu.memref_slice %arg4[%dma_start3A_320, %dma_start3A_321] : memref<10000x64xi32, #tpu.memory_space<hbm>> -> memref<10000x64xi32, #tpu.memory_space<hbm>>
        %dma_start3A_323 = tpu.memref_slice %arg12[%dma_start3A_314] : memref<2x!tpu.dma_semaphore, #tpu.memory_space<semaphore_mem>> -> memref<1x!tpu.dma_semaphore, #tpu.memory_space<semaphore_mem>>
        %dma_start3A_324 = tpu.memref_squeeze %dma_start3A_323 : memref<1x!tpu.dma_semaphore, #tpu.memory_space<semaphore_mem>> -> memref<!tpu.dma_semaphore, #tpu.memory_space<semaphore_mem>>
        tpu.enqueue_indirect_dma source(%dma_start3A_322 : memref<10000x64xi32, #tpu.memory_space<hbm>>) target(%dma_start3A_318 : memref<40x64xi32, #tpu.memory_space<vmem>>) offsets(%dma_start3A_319 : memref<40xi32, #tpu.memory_space<vmem>>) semaphore(%dma_start3A_324 : memref<!tpu.dma_semaphore, #tpu.memory_space<semaphore_mem>>)
      } else {
      }
      %mul3A_207 = arith.constant 2 : i32
      %mul3A_208 = arith.muli %mul3A_207, %add3A_149 : i32
      %add3A_209 = arith.constant 1 : i32
      %add3A_210 = arith.addi %mul3A_208, %add3A_209 : i32
      %dma_wait3A_211 = arith.constant 1 : i32
      %dma_wait3A_212 = arith.constant 1 : i32
      %dma_wait3A_213 = arith.constant 0 : i32
      %dma_wait3A_214 = arith.constant 0 : i32
      %dma_wait3A_215 = tpu.memref_slice %arg8[%dma_wait3A_211, %dma_wait3A_213, %dma_wait3A_214] : memref<2x80x64xi32, #tpu.memory_space<vmem>> -> memref<1x80x64xi32, #tpu.memory_space<vmem>>
      %dma_wait3A_216 = tpu.memref_squeeze %dma_wait3A_215 : memref<1x80x64xi32, #tpu.memory_space<vmem>> -> memref<80x64xi32, #tpu.memory_space<vmem>>
      %dma_wait3A_217 = arith.constant 0 : i32
      %dma_wait3A_218 = tpu.memref_slice %arg6[%dma_wait3A_217] : memref<20000xi32, #tpu.memory_space<vmem>> -> memref<80xi32, #tpu.memory_space<vmem>>
      %dma_wait3A_219 = arith.constant 0 : i32
      %dma_wait3A_220 = arith.constant 0 : i32
      %dma_wait3A_221 = tpu.memref_slice %arg4[%dma_wait3A_219, %dma_wait3A_220] : memref<10000x64xi32, #tpu.memory_space<hbm>> -> memref<10000x64xi32, #tpu.memory_space<hbm>>
      %dma_wait3A_222 = tpu.memref_slice %arg11[%dma_wait3A_212] : memref<2x!tpu.dma_semaphore, #tpu.memory_space<semaphore_mem>> -> memref<1x!tpu.dma_semaphore, #tpu.memory_space<semaphore_mem>>
      %dma_wait3A_223 = tpu.memref_squeeze %dma_wait3A_222 : memref<1x!tpu.dma_semaphore, #tpu.memory_space<semaphore_mem>> -> memref<!tpu.dma_semaphore, #tpu.memory_space<semaphore_mem>>
      tpu.wait_indirect_dma semaphore(%dma_wait3A_223 : memref<!tpu.dma_semaphore, #tpu.memory_space<semaphore_mem>>) src(%dma_wait3A_221 : memref<10000x64xi32, #tpu.memory_space<hbm>>) dst(%dma_wait3A_216 : memref<80x64xi32, #tpu.memory_space<vmem>>)
      %dma_wait3A_224 = arith.constant 1 : i32
      %dma_wait3A_225 = arith.constant 1 : i32
      %dma_wait3A_226 = arith.constant 0 : i32
      %dma_wait3A_227 = arith.constant 0 : i32
      %dma_wait3A_228 = tpu.memref_slice %arg9[%dma_wait3A_224, %dma_wait3A_226, %dma_wait3A_227] : memref<2x80x64xi32, #tpu.memory_space<vmem>> -> memref<1x80x64xi32, #tpu.memory_space<vmem>>
      %dma_wait3A_229 = tpu.memref_squeeze %dma_wait3A_228 : memref<1x80x64xi32, #tpu.memory_space<vmem>> -> memref<80x64xi32, #tpu.memory_space<vmem>>
      %dma_wait3A_230 = arith.constant 0 : i32
      %dma_wait3A_231 = tpu.memref_slice %arg7[%dma_wait3A_230] : memref<20000xi32, #tpu.memory_space<vmem>> -> memref<80xi32, #tpu.memory_space<vmem>>
      %dma_wait3A_232 = arith.constant 0 : i32
      %dma_wait3A_233 = arith.constant 0 : i32
      %dma_wait3A_234 = tpu.memref_slice %arg4[%dma_wait3A_232, %dma_wait3A_233] : memref<10000x64xi32, #tpu.memory_space<hbm>> -> memref<10000x64xi32, #tpu.memory_space<hbm>>
      %dma_wait3A_235 = tpu.memref_slice %arg12[%dma_wait3A_225] : memref<2x!tpu.dma_semaphore, #tpu.memory_space<semaphore_mem>> -> memref<1x!tpu.dma_semaphore, #tpu.memory_space<semaphore_mem>>
      %dma_wait3A_236 = tpu.memref_squeeze %dma_wait3A_235 : memref<1x!tpu.dma_semaphore, #tpu.memory_space<semaphore_mem>> -> memref<!tpu.dma_semaphore, #tpu.memory_space<semaphore_mem>>
      tpu.wait_indirect_dma semaphore(%dma_wait3A_236 : memref<!tpu.dma_semaphore, #tpu.memory_space<semaphore_mem>>) src(%dma_wait3A_234 : memref<10000x64xi32, #tpu.memory_space<hbm>>) dst(%dma_wait3A_229 : memref<80x64xi32, #tpu.memory_space<vmem>>)
      %gt3A_237 = arith.constant 0 : i32
      %gt3A_238 = arith.cmpi sgt, %add3A_149, %gt3A_237 : i32
      %convert_element_type3A_239 = arith.extui %gt3A_238 : i1 to i32
      %cond3A_240 = arith.constant 0 : i32
      %cond3A_241 = arith.cmpi ne, %convert_element_type3A_239, %cond3A_240 : i32
      scf.if %cond3A_241 {
        %dma_wait3A_269 = arith.constant 1 : i32
        %dma_wait3A_270 = arith.constant 1 : i32
        %dma_wait3A_271 = arith.constant 0 : i32
        %dma_wait3A_272 = arith.constant 0 : i32
        %dma_wait3A_273 = tpu.memref_slice %arg10[%dma_wait3A_269, %dma_wait3A_271, %dma_wait3A_272] : memref<2x40x128xi32, #tpu.memory_space<vmem>> -> memref<1x40x128xi32, #tpu.memory_space<vmem>>
        %dma_wait3A_274 = tpu.memref_squeeze %dma_wait3A_273 : memref<1x40x128xi32, #tpu.memory_space<vmem>> -> memref<40x128xi32, #tpu.memory_space<vmem>>
        %dma_wait3A_275 = arith.constant 0 : i32
        %dma_wait3A_276 = tpu.memref_slice %arg5[%mul3A_2, %dma_wait3A_275] : memref<320000x128xi32, #tpu.memory_space<hbm>> -> memref<40x128xi32, #tpu.memory_space<hbm>>
        %dma_wait3A_277 = tpu.memref_slice %arg13[%dma_wait3A_270] : memref<2x!tpu.dma_semaphore, #tpu.memory_space<semaphore_mem>> -> memref<1x!tpu.dma_semaphore, #tpu.memory_space<semaphore_mem>>
        %dma_wait3A_278 = tpu.memref_squeeze %dma_wait3A_277 : memref<1x!tpu.dma_semaphore, #tpu.memory_space<semaphore_mem>> -> memref<!tpu.dma_semaphore, #tpu.memory_space<semaphore_mem>>
        %dma_wait3A_279 = arith.constant 0 : i32
        %dma_wait3A_280 = tpu.memref_slice %arg5[%mul3A_2, %dma_wait3A_279] : memref<320000x128xi32, #tpu.memory_space<hbm>> -> memref<40x128xi32, #tpu.memory_space<hbm>>
        %dma_wait3A_281 = arith.constant 0 : i32
        %dma_wait3A_282 = arith.constant 0 : i32
        %dma_wait3A_283 = tpu.memref_slice %arg10[%dma_wait3A_269, %dma_wait3A_281, %dma_wait3A_282] : memref<2x40x128xi32, #tpu.memory_space<vmem>> -> memref<1x40x128xi32, #tpu.memory_space<vmem>>
        %dma_wait3A_284 = tpu.memref_squeeze %dma_wait3A_283 : memref<1x40x128xi32, #tpu.memory_space<vmem>> -> memref<40x128xi32, #tpu.memory_space<vmem>>
        tpu.wait_dma2 semaphore(%dma_wait3A_278 : memref<!tpu.dma_semaphore, #tpu.memory_space<semaphore_mem>>) src(%dma_wait3A_284 : memref<40x128xi32, #tpu.memory_space<vmem>>) dst(%dma_wait3A_280 : memref<40x128xi32, #tpu.memory_space<hbm>>)
      } else {
      }
      %parallel_loop3A_242 = arith.constant 0 : i32
      %parallel_loop3A_243 = arith.constant 40 : i32
      %parallel_loop3A_244 = arith.constant 1 : i32
      scf.for %parallel_loop3A_269 = %parallel_loop3A_242 to %parallel_loop3A_243 step %parallel_loop3A_244  : i32 {
        %parallel_loop3A_270 = arith.constant 0 : i32
        %parallel_loop3A_271 = arith.addi %parallel_loop3A_269, %parallel_loop3A_270 : i32
        %parallel_loop3A_272 = arith.constant 1 : i32
        %parallel_loop3A_273 = arith.index_cast %parallel_loop3A_272 : i32 to index
        %parallel_loop3A_274 = arith.index_cast %parallel_loop3A_271 : i32 to index
        %parallel_loop3A_275 = arith.constant 0 : index
        %parallel_loop3A_276 = tpu.vector_load %arg8[%parallel_loop3A_273, %parallel_loop3A_274, %parallel_loop3A_275] {strides = array<i32>} : memref<2x80x64xi32, #tpu.memory_space<vmem>>, vector<16xi32>,
        %parallel_loop3A_277 = vector.bitcast %parallel_loop3A_276 : vector<16xi32> to vector<32xbf16>
        %parallel_loop3A_278 = arith.constant 1 : i32
        %parallel_loop3A_279 = arith.index_cast %parallel_loop3A_278 : i32 to index
        %parallel_loop3A_280 = arith.index_cast %parallel_loop3A_271 : i32 to index
        %parallel_loop3A_281 = arith.constant 0 : index
        %parallel_loop3A_282 = tpu.vector_load %arg9[%parallel_loop3A_279, %parallel_loop3A_280, %parallel_loop3A_281] {strides = array<i32>} : memref<2x80x64xi32, #tpu.memory_space<vmem>>, vector<16xi32>,
        %parallel_loop3A_283 = vector.bitcast %parallel_loop3A_282 : vector<16xi32> to vector<32xbf16>
        %parallel_loop3A_284 = arith.mulf %parallel_loop3A_277, %parallel_loop3A_283 : vector<32xbf16>
        %parallel_loop3A_285 = arith.constant 0.000000e+00 : bf16
        %parallel_loop3A_286 = vector.broadcast %parallel_loop3A_285 : bf16 to vector<32xbf16>
        %parallel_loop3A_287 = arith.maximumf %parallel_loop3A_284, %parallel_loop3A_286 : vector<32xbf16>
        %parallel_loop3A_288 = vector.bitcast %parallel_loop3A_287 : vector<32xbf16> to vector<16xi32>
        %parallel_loop3A_289 = arith.constant 1 : i32
        %parallel_loop3A_290 = arith.index_cast %parallel_loop3A_289 : i32 to index
        %parallel_loop3A_291 = arith.index_cast %parallel_loop3A_269 : i32 to index
        %parallel_loop3A_292 = arith.constant 0 : index
        %parallel_loop3A_293 = tpu.vector_load %arg10[%parallel_loop3A_290, %parallel_loop3A_291, %parallel_loop3A_292] {strides = array<i32>} : memref<2x40x128xi32, #tpu.memory_space<vmem>>, vector<16xi32>,
        tpu.vector_store %arg10[%parallel_loop3A_290, %parallel_loop3A_291, %parallel_loop3A_292], %parallel_loop3A_288 {strides = array<i32>} : memref<2x40x128xi32, #tpu.memory_space<vmem>>, vector<16xi32>,
        %parallel_loop3A_294 = arith.constant 1 : i32
        %parallel_loop3A_295 = arith.index_cast %parallel_loop3A_294 : i32 to index
        %parallel_loop3A_296 = arith.index_cast %parallel_loop3A_271 : i32 to index
        %parallel_loop3A_297 = arith.constant 16 : index
        %parallel_loop3A_298 = tpu.vector_load %arg8[%parallel_loop3A_295, %parallel_loop3A_296, %parallel_loop3A_297] {strides = array<i32>} : memref<2x80x64xi32, #tpu.memory_space<vmem>>, vector<16xi32>,
        %parallel_loop3A_299 = vector.bitcast %parallel_loop3A_298 : vector<16xi32> to vector<32xbf16>
        %parallel_loop3A_300 = arith.constant 1 : i32
        %parallel_loop3A_301 = arith.index_cast %parallel_loop3A_300 : i32 to index
        %parallel_loop3A_302 = arith.index_cast %parallel_loop3A_271 : i32 to index
        %parallel_loop3A_303 = arith.constant 16 : index
        %parallel_loop3A_304 = tpu.vector_load %arg9[%parallel_loop3A_301, %parallel_loop3A_302, %parallel_loop3A_303] {strides = array<i32>} : memref<2x80x64xi32, #tpu.memory_space<vmem>>, vector<16xi32>,
        %parallel_loop3A_305 = vector.bitcast %parallel_loop3A_304 : vector<16xi32> to vector<32xbf16>
        %parallel_loop3A_306 = arith.mulf %parallel_loop3A_299, %parallel_loop3A_305 : vector<32xbf16>
        %parallel_loop3A_307 = arith.constant 0.000000e+00 : bf16
        %parallel_loop3A_308 = vector.broadcast %parallel_loop3A_307 : bf16 to vector<32xbf16>
        %parallel_loop3A_309 = arith.maximumf %parallel_loop3A_306, %parallel_loop3A_308 : vector<32xbf16>
        %parallel_loop3A_310 = vector.bitcast %parallel_loop3A_309 : vector<32xbf16> to vector<16xi32>
        %parallel_loop3A_311 = arith.constant 1 : i32
        %parallel_loop3A_312 = arith.index_cast %parallel_loop3A_311 : i32 to index
        %parallel_loop3A_313 = arith.index_cast %parallel_loop3A_269 : i32 to index
        %parallel_loop3A_314 = arith.constant 16 : index
        %parallel_loop3A_315 = tpu.vector_load %arg10[%parallel_loop3A_312, %parallel_loop3A_313, %parallel_loop3A_314] {strides = array<i32>} : memref<2x40x128xi32, #tpu.memory_space<vmem>>, vector<16xi32>,
        tpu.vector_store %arg10[%parallel_loop3A_312, %parallel_loop3A_313, %parallel_loop3A_314], %parallel_loop3A_310 {strides = array<i32>} : memref<2x40x128xi32, #tpu.memory_space<vmem>>, vector<16xi32>,
        %parallel_loop3A_316 = arith.constant 1 : i32
        %parallel_loop3A_317 = arith.index_cast %parallel_loop3A_316 : i32 to index
        %parallel_loop3A_318 = arith.index_cast %parallel_loop3A_271 : i32 to index
        %parallel_loop3A_319 = arith.constant 32 : index
        %parallel_loop3A_320 = tpu.vector_load %arg8[%parallel_loop3A_317, %parallel_loop3A_318, %parallel_loop3A_319] {strides = array<i32>} : memref<2x80x64xi32, #tpu.memory_space<vmem>>, vector<16xi32>,
        %parallel_loop3A_321 = vector.bitcast %parallel_loop3A_320 : vector<16xi32> to vector<32xbf16>
        %parallel_loop3A_322 = arith.constant 1 : i32
        %parallel_loop3A_323 = arith.index_cast %parallel_loop3A_322 : i32 to index
        %parallel_loop3A_324 = arith.index_cast %parallel_loop3A_271 : i32 to index
        %parallel_loop3A_325 = arith.constant 32 : index
        %parallel_loop3A_326 = tpu.vector_load %arg9[%parallel_loop3A_323, %parallel_loop3A_324, %parallel_loop3A_325] {strides = array<i32>} : memref<2x80x64xi32, #tpu.memory_space<vmem>>, vector<16xi32>,
        %parallel_loop3A_327 = vector.bitcast %parallel_loop3A_326 : vector<16xi32> to vector<32xbf16>
        %parallel_loop3A_328 = arith.mulf %parallel_loop3A_321, %parallel_loop3A_327 : vector<32xbf16>
        %parallel_loop3A_329 = arith.constant 0.000000e+00 : bf16
        %parallel_loop3A_330 = vector.broadcast %parallel_loop3A_329 : bf16 to vector<32xbf16>
        %parallel_loop3A_331 = arith.maximumf %parallel_loop3A_328, %parallel_loop3A_330 : vector<32xbf16>
        %parallel_loop3A_332 = vector.bitcast %parallel_loop3A_331 : vector<32xbf16> to vector<16xi32>
        %parallel_loop3A_333 = arith.constant 1 : i32
        %parallel_loop3A_334 = arith.index_cast %parallel_loop3A_333 : i32 to index
        %parallel_loop3A_335 = arith.index_cast %parallel_loop3A_269 : i32 to index
        %parallel_loop3A_336 = arith.constant 32 : index
        %parallel_loop3A_337 = tpu.vector_load %arg10[%parallel_loop3A_334, %parallel_loop3A_335, %parallel_loop3A_336] {strides = array<i32>} : memref<2x40x128xi32, #tpu.memory_space<vmem>>, vector<16xi32>,
        tpu.vector_store %arg10[%parallel_loop3A_334, %parallel_loop3A_335, %parallel_loop3A_336], %parallel_loop3A_332 {strides = array<i32>} : memref<2x40x128xi32, #tpu.memory_space<vmem>>, vector<16xi32>,
        %parallel_loop3A_338 = arith.constant 1 : i32
        %parallel_loop3A_339 = arith.index_cast %parallel_loop3A_338 : i32 to index
        %parallel_loop3A_340 = arith.index_cast %parallel_loop3A_271 : i32 to index
        %parallel_loop3A_341 = arith.constant 48 : index
        %parallel_loop3A_342 = tpu.vector_load %arg8[%parallel_loop3A_339, %parallel_loop3A_340, %parallel_loop3A_341] {strides = array<i32>} : memref<2x80x64xi32, #tpu.memory_space<vmem>>, vector<16xi32>,
        %parallel_loop3A_343 = vector.bitcast %parallel_loop3A_342 : vector<16xi32> to vector<32xbf16>
        %parallel_loop3A_344 = arith.constant 1 : i32
        %parallel_loop3A_345 = arith.index_cast %parallel_loop3A_344 : i32 to index
        %parallel_loop3A_346 = arith.index_cast %parallel_loop3A_271 : i32 to index
        %parallel_loop3A_347 = arith.constant 48 : index
        %parallel_loop3A_348 = tpu.vector_load %arg9[%parallel_loop3A_345, %parallel_loop3A_346, %parallel_loop3A_347] {strides = array<i32>} : memref<2x80x64xi32, #tpu.memory_space<vmem>>, vector<16xi32>,
        %parallel_loop3A_349 = vector.bitcast %parallel_loop3A_348 : vector<16xi32> to vector<32xbf16>
        %parallel_loop3A_350 = arith.mulf %parallel_loop3A_343, %parallel_loop3A_349 : vector<32xbf16>
        %parallel_loop3A_351 = arith.constant 0.000000e+00 : bf16
        %parallel_loop3A_352 = vector.broadcast %parallel_loop3A_351 : bf16 to vector<32xbf16>
        %parallel_loop3A_353 = arith.maximumf %parallel_loop3A_350, %parallel_loop3A_352 : vector<32xbf16>
        %parallel_loop3A_354 = vector.bitcast %parallel_loop3A_353 : vector<32xbf16> to vector<16xi32>
        %parallel_loop3A_355 = arith.constant 1 : i32
        %parallel_loop3A_356 = arith.index_cast %parallel_loop3A_355 : i32 to index
        %parallel_loop3A_357 = arith.index_cast %parallel_loop3A_269 : i32 to index
        %parallel_loop3A_358 = arith.constant 48 : index
        %parallel_loop3A_359 = tpu.vector_load %arg10[%parallel_loop3A_356, %parallel_loop3A_357, %parallel_loop3A_358] {strides = array<i32>} : memref<2x40x128xi32, #tpu.memory_space<vmem>>, vector<16xi32>,
        tpu.vector_store %arg10[%parallel_loop3A_356, %parallel_loop3A_357, %parallel_loop3A_358], %parallel_loop3A_354 {strides = array<i32>} : memref<2x40x128xi32, #tpu.memory_space<vmem>>, vector<16xi32>,
        %parallel_loop3A_360 = arith.constant 40 : i32
        %parallel_loop3A_361 = arith.addi %parallel_loop3A_269, %parallel_loop3A_360 : i32
        %parallel_loop3A_362 = arith.constant 1 : i32
        %parallel_loop3A_363 = arith.index_cast %parallel_loop3A_362 : i32 to index
        %parallel_loop3A_364 = arith.index_cast %parallel_loop3A_361 : i32 to index
        %parallel_loop3A_365 = arith.constant 0 : index
        %parallel_loop3A_366 = tpu.vector_load %arg8[%parallel_loop3A_363, %parallel_loop3A_364, %parallel_loop3A_365] {strides = array<i32>} : memref<2x80x64xi32, #tpu.memory_space<vmem>>, vector<16xi32>,
        %parallel_loop3A_367 = vector.bitcast %parallel_loop3A_366 : vector<16xi32> to vector<32xbf16>
        %parallel_loop3A_368 = arith.constant 1 : i32
        %parallel_loop3A_369 = arith.index_cast %parallel_loop3A_368 : i32 to index
        %parallel_loop3A_370 = arith.index_cast %parallel_loop3A_361 : i32 to index
        %parallel_loop3A_371 = arith.constant 0 : index
        %parallel_loop3A_372 = tpu.vector_load %arg9[%parallel_loop3A_369, %parallel_loop3A_370, %parallel_loop3A_371] {strides = array<i32>} : memref<2x80x64xi32, #tpu.memory_space<vmem>>, vector<16xi32>,
        %parallel_loop3A_373 = vector.bitcast %parallel_loop3A_372 : vector<16xi32> to vector<32xbf16>
        %parallel_loop3A_374 = arith.mulf %parallel_loop3A_367, %parallel_loop3A_373 : vector<32xbf16>
        %parallel_loop3A_375 = arith.constant 0.000000e+00 : bf16
        %parallel_loop3A_376 = vector.broadcast %parallel_loop3A_375 : bf16 to vector<32xbf16>
        %parallel_loop3A_377 = arith.maximumf %parallel_loop3A_374, %parallel_loop3A_376 : vector<32xbf16>
        %parallel_loop3A_378 = vector.bitcast %parallel_loop3A_377 : vector<32xbf16> to vector<16xi32>
        %parallel_loop3A_379 = arith.constant 1 : i32
        %parallel_loop3A_380 = arith.index_cast %parallel_loop3A_379 : i32 to index
        %parallel_loop3A_381 = arith.index_cast %parallel_loop3A_269 : i32 to index
        %parallel_loop3A_382 = arith.constant 64 : index
        %parallel_loop3A_383 = tpu.vector_load %arg10[%parallel_loop3A_380, %parallel_loop3A_381, %parallel_loop3A_382] {strides = array<i32>} : memref<2x40x128xi32, #tpu.memory_space<vmem>>, vector<16xi32>,
        tpu.vector_store %arg10[%parallel_loop3A_380, %parallel_loop3A_381, %parallel_loop3A_382], %parallel_loop3A_378 {strides = array<i32>} : memref<2x40x128xi32, #tpu.memory_space<vmem>>, vector<16xi32>,
        %parallel_loop3A_384 = arith.constant 1 : i32
        %parallel_loop3A_385 = arith.index_cast %parallel_loop3A_384 : i32 to index
        %parallel_loop3A_386 = arith.index_cast %parallel_loop3A_361 : i32 to index
        %parallel_loop3A_387 = arith.constant 16 : index
        %parallel_loop3A_388 = tpu.vector_load %arg8[%parallel_loop3A_385, %parallel_loop3A_386, %parallel_loop3A_387] {strides = array<i32>} : memref<2x80x64xi32, #tpu.memory_space<vmem>>, vector<16xi32>,
        %parallel_loop3A_389 = vector.bitcast %parallel_loop3A_388 : vector<16xi32> to vector<32xbf16>
        %parallel_loop3A_390 = arith.constant 1 : i32
        %parallel_loop3A_391 = arith.index_cast %parallel_loop3A_390 : i32 to index
        %parallel_loop3A_392 = arith.index_cast %parallel_loop3A_361 : i32 to index
        %parallel_loop3A_393 = arith.constant 16 : index
        %parallel_loop3A_394 = tpu.vector_load %arg9[%parallel_loop3A_391, %parallel_loop3A_392, %parallel_loop3A_393] {strides = array<i32>} : memref<2x80x64xi32, #tpu.memory_space<vmem>>, vector<16xi32>,
        %parallel_loop3A_395 = vector.bitcast %parallel_loop3A_394 : vector<16xi32> to vector<32xbf16>
        %parallel_loop3A_396 = arith.mulf %parallel_loop3A_389, %parallel_loop3A_395 : vector<32xbf16>
        %parallel_loop3A_397 = arith.constant 0.000000e+00 : bf16
        %parallel_loop3A_398 = vector.broadcast %parallel_loop3A_397 : bf16 to vector<32xbf16>
        %parallel_loop3A_399 = arith.maximumf %parallel_loop3A_396, %parallel_loop3A_398 : vector<32xbf16>
        %parallel_loop3A_400 = vector.bitcast %parallel_loop3A_399 : vector<32xbf16> to vector<16xi32>
        %parallel_loop3A_401 = arith.constant 1 : i32
        %parallel_loop3A_402 = arith.index_cast %parallel_loop3A_401 : i32 to index
        %parallel_loop3A_403 = arith.index_cast %parallel_loop3A_269 : i32 to index
        %parallel_loop3A_404 = arith.constant 80 : index
        %parallel_loop3A_405 = tpu.vector_load %arg10[%parallel_loop3A_402, %parallel_loop3A_403, %parallel_loop3A_404] {strides = array<i32>} : memref<2x40x128xi32, #tpu.memory_space<vmem>>, vector<16xi32>,
        tpu.vector_store %arg10[%parallel_loop3A_402, %parallel_loop3A_403, %parallel_loop3A_404], %parallel_loop3A_400 {strides = array<i32>} : memref<2x40x128xi32, #tpu.memory_space<vmem>>, vector<16xi32>,
        %parallel_loop3A_406 = arith.constant 1 : i32
        %parallel_loop3A_407 = arith.index_cast %parallel_loop3A_406 : i32 to index
        %parallel_loop3A_408 = arith.index_cast %parallel_loop3A_361 : i32 to index
        %parallel_loop3A_409 = arith.constant 32 : index
        %parallel_loop3A_410 = tpu.vector_load %arg8[%parallel_loop3A_407, %parallel_loop3A_408, %parallel_loop3A_409] {strides = array<i32>} : memref<2x80x64xi32, #tpu.memory_space<vmem>>, vector<16xi32>,
        %parallel_loop3A_411 = vector.bitcast %parallel_loop3A_410 : vector<16xi32> to vector<32xbf16>
        %parallel_loop3A_412 = arith.constant 1 : i32
        %parallel_loop3A_413 = arith.index_cast %parallel_loop3A_412 : i32 to index
        %parallel_loop3A_414 = arith.index_cast %parallel_loop3A_361 : i32 to index
        %parallel_loop3A_415 = arith.constant 32 : index
        %parallel_loop3A_416 = tpu.vector_load %arg9[%parallel_loop3A_413, %parallel_loop3A_414, %parallel_loop3A_415] {strides = array<i32>} : memref<2x80x64xi32, #tpu.memory_space<vmem>>, vector<16xi32>,
        %parallel_loop3A_417 = vector.bitcast %parallel_loop3A_416 : vector<16xi32> to vector<32xbf16>
        %parallel_loop3A_418 = arith.mulf %parallel_loop3A_411, %parallel_loop3A_417 : vector<32xbf16>
        %parallel_loop3A_419 = arith.constant 0.000000e+00 : bf16
        %parallel_loop3A_420 = vector.broadcast %parallel_loop3A_419 : bf16 to vector<32xbf16>
        %parallel_loop3A_421 = arith.maximumf %parallel_loop3A_418, %parallel_loop3A_420 : vector<32xbf16>
        %parallel_loop3A_422 = vector.bitcast %parallel_loop3A_421 : vector<32xbf16> to vector<16xi32>
        %parallel_loop3A_423 = arith.constant 1 : i32
        %parallel_loop3A_424 = arith.index_cast %parallel_loop3A_423 : i32 to index
        %parallel_loop3A_425 = arith.index_cast %parallel_loop3A_269 : i32 to index
        %parallel_loop3A_426 = arith.constant 96 : index
        %parallel_loop3A_427 = tpu.vector_load %arg10[%parallel_loop3A_424, %parallel_loop3A_425, %parallel_loop3A_426] {strides = array<i32>} : memref<2x40x128xi32, #tpu.memory_space<vmem>>, vector<16xi32>,
        tpu.vector_store %arg10[%parallel_loop3A_424, %parallel_loop3A_425, %parallel_loop3A_426], %parallel_loop3A_422 {strides = array<i32>} : memref<2x40x128xi32, #tpu.memory_space<vmem>>, vector<16xi32>,
        %parallel_loop3A_428 = arith.constant 1 : i32
        %parallel_loop3A_429 = arith.index_cast %parallel_loop3A_428 : i32 to index
        %parallel_loop3A_430 = arith.index_cast %parallel_loop3A_361 : i32 to index
        %parallel_loop3A_431 = arith.constant 48 : index
        %parallel_loop3A_432 = tpu.vector_load %arg8[%parallel_loop3A_429, %parallel_loop3A_430, %parallel_loop3A_431] {strides = array<i32>} : memref<2x80x64xi32, #tpu.memory_space<vmem>>, vector<16xi32>,
        %parallel_loop3A_433 = vector.bitcast %parallel_loop3A_432 : vector<16xi32> to vector<32xbf16>
        %parallel_loop3A_434 = arith.constant 1 : i32
        %parallel_loop3A_435 = arith.index_cast %parallel_loop3A_434 : i32 to index
        %parallel_loop3A_436 = arith.index_cast %parallel_loop3A_361 : i32 to index
        %parallel_loop3A_437 = arith.constant 48 : index
        %parallel_loop3A_438 = tpu.vector_load %arg9[%parallel_loop3A_435, %parallel_loop3A_436, %parallel_loop3A_437] {strides = array<i32>} : memref<2x80x64xi32, #tpu.memory_space<vmem>>, vector<16xi32>,
        %parallel_loop3A_439 = vector.bitcast %parallel_loop3A_438 : vector<16xi32> to vector<32xbf16>
        %parallel_loop3A_440 = arith.mulf %parallel_loop3A_433, %parallel_loop3A_439 : vector<32xbf16>
        %parallel_loop3A_441 = arith.constant 0.000000e+00 : bf16
        %parallel_loop3A_442 = vector.broadcast %parallel_loop3A_441 : bf16 to vector<32xbf16>
        %parallel_loop3A_443 = arith.maximumf %parallel_loop3A_440, %parallel_loop3A_442 : vector<32xbf16>
        %parallel_loop3A_444 = vector.bitcast %parallel_loop3A_443 : vector<32xbf16> to vector<16xi32>
        %parallel_loop3A_445 = arith.constant 1 : i32
        %parallel_loop3A_446 = arith.index_cast %parallel_loop3A_445 : i32 to index
        %parallel_loop3A_447 = arith.index_cast %parallel_loop3A_269 : i32 to index
        %parallel_loop3A_448 = arith.constant 112 : index
        %parallel_loop3A_449 = tpu.vector_load %arg10[%parallel_loop3A_446, %parallel_loop3A_447, %parallel_loop3A_448] {strides = array<i32>} : memref<2x40x128xi32, #tpu.memory_space<vmem>>, vector<16xi32>,
        tpu.vector_store %arg10[%parallel_loop3A_446, %parallel_loop3A_447, %parallel_loop3A_448], %parallel_loop3A_444 {strides = array<i32>} : memref<2x40x128xi32, #tpu.memory_space<vmem>>, vector<16xi32>,
      } {sc.loop_unroll_factor = 2 : i64, sc.parallel_access}
      %mul3A_245 = arith.constant 40 : i32
      %mul3A_246 = arith.muli %add3A_210, %mul3A_245 : i32
      %add3A_247 = arith.addi %mul3A_2, %mul3A_246 : i32
      %dma_start3A_248 = arith.constant 1 : i32
      %dma_start3A_249 = arith.constant 1 : i32
      %dma_start3A_250 = arith.constant 0 : i32
      %dma_start3A_251 = arith.constant 0 : i32
      %dma_start3A_252 = tpu.memref_slice %arg10[%dma_start3A_248, %dma_start3A_250, %dma_start3A_251] : memref<2x40x128xi32, #tpu.memory_space<vmem>> -> memref<1x40x128xi32, #tpu.memory_space<vmem>>
      %dma_start3A_253 = tpu.memref_squeeze %dma_start3A_252 : memref<1x40x128xi32, #tpu.memory_space<vmem>> -> memref<40x128xi32, #tpu.memory_space<vmem>>
      %dma_start3A_254 = arith.constant 0 : i32
      %dma_start3A_255 = tpu.memref_slice %arg5[%add3A_247, %dma_start3A_254] : memref<320000x128xi32, #tpu.memory_space<hbm>> -> memref<40x128xi32, #tpu.memory_space<hbm>>
      %dma_start3A_256 = tpu.memref_slice %arg13[%dma_start3A_249] : memref<2x!tpu.dma_semaphore, #tpu.memory_space<semaphore_mem>> -> memref<1x!tpu.dma_semaphore, #tpu.memory_space<semaphore_mem>>
      %dma_start3A_257 = tpu.memref_squeeze %dma_start3A_256 : memref<1x!tpu.dma_semaphore, #tpu.memory_space<semaphore_mem>> -> memref<!tpu.dma_semaphore, #tpu.memory_space<semaphore_mem>>
      %dma_start3A_258 = arith.constant 0 : i32
      %dma_start3A_259 = tpu.memref_slice %arg5[%add3A_247, %dma_start3A_258] : memref<320000x128xi32, #tpu.memory_space<hbm>> -> memref<40x128xi32, #tpu.memory_space<hbm>>
      %dma_start3A_260 = arith.constant 0 : i32
      %dma_start3A_261 = arith.constant 0 : i32
      %dma_start3A_262 = tpu.memref_slice %arg10[%dma_start3A_248, %dma_start3A_260, %dma_start3A_261] : memref<2x40x128xi32, #tpu.memory_space<vmem>> -> memref<1x40x128xi32, #tpu.memory_space<vmem>>
      %dma_start3A_263 = tpu.memref_squeeze %dma_start3A_262 : memref<1x40x128xi32, #tpu.memory_space<vmem>> -> memref<40x128xi32, #tpu.memory_space<vmem>>
      tpu.enqueue_dma source(%dma_start3A_263 : memref<40x128xi32, #tpu.memory_space<vmem>>) target(%dma_start3A_259 : memref<40x128xi32, #tpu.memory_space<hbm>>) target_semaphore(%dma_start3A_257 : memref<!tpu.dma_semaphore, #tpu.memory_space<semaphore_mem>>)
      %lt3A_264 = arith.constant 124 : i32
      %lt3A_265 = arith.cmpi slt, %add3A_149, %lt3A_264 : i32
      %convert_element_type3A_266 = arith.extui %lt3A_265 : i1 to i32
      %cond3A_267 = arith.constant 0 : i32
      %cond3A_268 = arith.cmpi ne, %convert_element_type3A_266, %cond3A_267 : i32
      scf.if %cond3A_268 {
        %add3A_269 = arith.constant 2 : i32
        %add3A_270 = arith.addi %add3A_210, %add3A_269 : i32
        %mul3A_271 = arith.constant 40 : i32
        %mul3A_272 = arith.muli %add3A_270, %mul3A_271 : i32
        %dma_start3A_273 = arith.constant 1 : i32
        %dma_start3A_274 = arith.constant 1 : i32
        %dma_start3A_275 = arith.constant 0 : i32
        %dma_start3A_276 = arith.constant 0 : i32
        %dma_start3A_277 = tpu.memref_slice %arg8[%dma_start3A_273, %dma_start3A_275, %dma_start3A_276] : memref<2x80x64xi32, #tpu.memory_space<vmem>> -> memref<1x40x64xi32, #tpu.memory_space<vmem>>
        %dma_start3A_278 = tpu.memref_squeeze %dma_start3A_277 : memref<1x40x64xi32, #tpu.memory_space<vmem>> -> memref<40x64xi32, #tpu.memory_space<vmem>>
        %dma_start3A_279 = tpu.memref_slice %arg6[%mul3A_272] : memref<20000xi32, #tpu.memory_space<vmem>> -> memref<40xi32, #tpu.memory_space<vmem>>
        %dma_start3A_280 = arith.constant 0 : i32
        %dma_start3A_281 = arith.constant 0 : i32
        %dma_start3A_282 = tpu.memref_slice %arg4[%dma_start3A_280, %dma_start3A_281] : memref<10000x64xi32, #tpu.memory_space<hbm>> -> memref<10000x64xi32, #tpu.memory_space<hbm>>
        %dma_start3A_283 = tpu.memref_slice %arg11[%dma_start3A_274] : memref<2x!tpu.dma_semaphore, #tpu.memory_space<semaphore_mem>> -> memref<1x!tpu.dma_semaphore, #tpu.memory_space<semaphore_mem>>
        %dma_start3A_284 = tpu.memref_squeeze %dma_start3A_283 : memref<1x!tpu.dma_semaphore, #tpu.memory_space<semaphore_mem>> -> memref<!tpu.dma_semaphore, #tpu.memory_space<semaphore_mem>>
        tpu.enqueue_indirect_dma source(%dma_start3A_282 : memref<10000x64xi32, #tpu.memory_space<hbm>>) target(%dma_start3A_278 : memref<40x64xi32, #tpu.memory_space<vmem>>) offsets(%dma_start3A_279 : memref<40xi32, #tpu.memory_space<vmem>>) semaphore(%dma_start3A_284 : memref<!tpu.dma_semaphore, #tpu.memory_space<semaphore_mem>>)
        %add3A_285 = arith.constant 10000 : i32
        %add3A_286 = arith.addi %add3A_285, %mul3A_272 : i32
        %dma_start3A_287 = arith.constant 1 : i32
        %dma_start3A_288 = arith.constant 1 : i32
        %dma_start3A_289 = arith.constant 40 : i32
        %dma_start3A_290 = arith.constant 0 : i32
        %dma_start3A_291 = tpu.memref_slice %arg8[%dma_start3A_287, %dma_start3A_289, %dma_start3A_290] : memref<2x80x64xi32, #tpu.memory_space<vmem>> -> memref<1x40x64xi32, #tpu.memory_space<vmem>>
        %dma_start3A_292 = tpu.memref_squeeze %dma_start3A_291 : memref<1x40x64xi32, #tpu.memory_space<vmem>> -> memref<40x64xi32, #tpu.memory_space<vmem>>
        %dma_start3A_293 = tpu.memref_slice %arg6[%add3A_286] : memref<20000xi32, #tpu.memory_space<vmem>> -> memref<40xi32, #tpu.memory_space<vmem>>
        %dma_start3A_294 = arith.constant 0 : i32
        %dma_start3A_295 = arith.constant 0 : i32
        %dma_start3A_296 = tpu.memref_slice %arg4[%dma_start3A_294, %dma_start3A_295] : memref<10000x64xi32, #tpu.memory_space<hbm>> -> memref<10000x64xi32, #tpu.memory_space<hbm>>
        %dma_start3A_297 = tpu.memref_slice %arg11[%dma_start3A_288] : memref<2x!tpu.dma_semaphore, #tpu.memory_space<semaphore_mem>> -> memref<1x!tpu.dma_semaphore, #tpu.memory_space<semaphore_mem>>
        %dma_start3A_298 = tpu.memref_squeeze %dma_start3A_297 : memref<1x!tpu.dma_semaphore, #tpu.memory_space<semaphore_mem>> -> memref<!tpu.dma_semaphore, #tpu.memory_space<semaphore_mem>>
        tpu.enqueue_indirect_dma source(%dma_start3A_296 : memref<10000x64xi32, #tpu.memory_space<hbm>>) target(%dma_start3A_292 : memref<40x64xi32, #tpu.memory_space<vmem>>) offsets(%dma_start3A_293 : memref<40xi32, #tpu.memory_space<vmem>>) semaphore(%dma_start3A_298 : memref<!tpu.dma_semaphore, #tpu.memory_space<semaphore_mem>>)
        %dma_start3A_299 = arith.constant 1 : i32
        %dma_start3A_300 = arith.constant 1 : i32
        %dma_start3A_301 = arith.constant 0 : i32
        %dma_start3A_302 = arith.constant 0 : i32
        %dma_start3A_303 = tpu.memref_slice %arg9[%dma_start3A_299, %dma_start3A_301, %dma_start3A_302] : memref<2x80x64xi32, #tpu.memory_space<vmem>> -> memref<1x40x64xi32, #tpu.memory_space<vmem>>
        %dma_start3A_304 = tpu.memref_squeeze %dma_start3A_303 : memref<1x40x64xi32, #tpu.memory_space<vmem>> -> memref<40x64xi32, #tpu.memory_space<vmem>>
        %dma_start3A_305 = tpu.memref_slice %arg7[%mul3A_272] : memref<20000xi32, #tpu.memory_space<vmem>> -> memref<40xi32, #tpu.memory_space<vmem>>
        %dma_start3A_306 = arith.constant 0 : i32
        %dma_start3A_307 = arith.constant 0 : i32
        %dma_start3A_308 = tpu.memref_slice %arg4[%dma_start3A_306, %dma_start3A_307] : memref<10000x64xi32, #tpu.memory_space<hbm>> -> memref<10000x64xi32, #tpu.memory_space<hbm>>
        %dma_start3A_309 = tpu.memref_slice %arg12[%dma_start3A_300] : memref<2x!tpu.dma_semaphore, #tpu.memory_space<semaphore_mem>> -> memref<1x!tpu.dma_semaphore, #tpu.memory_space<semaphore_mem>>
        %dma_start3A_310 = tpu.memref_squeeze %dma_start3A_309 : memref<1x!tpu.dma_semaphore, #tpu.memory_space<semaphore_mem>> -> memref<!tpu.dma_semaphore, #tpu.memory_space<semaphore_mem>>
        tpu.enqueue_indirect_dma source(%dma_start3A_308 : memref<10000x64xi32, #tpu.memory_space<hbm>>) target(%dma_start3A_304 : memref<40x64xi32, #tpu.memory_space<vmem>>) offsets(%dma_start3A_305 : memref<40xi32, #tpu.memory_space<vmem>>) semaphore(%dma_start3A_310 : memref<!tpu.dma_semaphore, #tpu.memory_space<semaphore_mem>>)
        %add3A_311 = arith.constant 10000 : i32
        %add3A_312 = arith.addi %add3A_311, %mul3A_272 : i32
        %dma_start3A_313 = arith.constant 1 : i32
        %dma_start3A_314 = arith.constant 1 : i32
        %dma_start3A_315 = arith.constant 40 : i32
        %dma_start3A_316 = arith.constant 0 : i32
        %dma_start3A_317 = tpu.memref_slice %arg9[%dma_start3A_313, %dma_start3A_315, %dma_start3A_316] : memref<2x80x64xi32, #tpu.memory_space<vmem>> -> memref<1x40x64xi32, #tpu.memory_space<vmem>>
        %dma_start3A_318 = tpu.memref_squeeze %dma_start3A_317 : memref<1x40x64xi32, #tpu.memory_space<vmem>> -> memref<40x64xi32, #tpu.memory_space<vmem>>
        %dma_start3A_319 = tpu.memref_slice %arg7[%add3A_312] : memref<20000xi32, #tpu.memory_space<vmem>> -> memref<40xi32, #tpu.memory_space<vmem>>
        %dma_start3A_320 = arith.constant 0 : i32
        %dma_start3A_321 = arith.constant 0 : i32
        %dma_start3A_322 = tpu.memref_slice %arg4[%dma_start3A_320, %dma_start3A_321] : memref<10000x64xi32, #tpu.memory_space<hbm>> -> memref<10000x64xi32, #tpu.memory_space<hbm>>
        %dma_start3A_323 = tpu.memref_slice %arg12[%dma_start3A_314] : memref<2x!tpu.dma_semaphore, #tpu.memory_space<semaphore_mem>> -> memref<1x!tpu.dma_semaphore, #tpu.memory_space<semaphore_mem>>
        %dma_start3A_324 = tpu.memref_squeeze %dma_start3A_323 : memref<1x!tpu.dma_semaphore, #tpu.memory_space<semaphore_mem>> -> memref<!tpu.dma_semaphore, #tpu.memory_space<semaphore_mem>>
        tpu.enqueue_indirect_dma source(%dma_start3A_322 : memref<10000x64xi32, #tpu.memory_space<hbm>>) target(%dma_start3A_318 : memref<40x64xi32, #tpu.memory_space<vmem>>) offsets(%dma_start3A_319 : memref<40xi32, #tpu.memory_space<vmem>>) semaphore(%dma_start3A_324 : memref<!tpu.dma_semaphore, #tpu.memory_space<semaphore_mem>>)
      } else {
      }
    }
    %scan3A_113 = arith.constant 125 : i32
    %dma_wait3A = arith.constant 0 : i32
    %dma_wait3A_114 = arith.constant 0 : i32
    %dma_wait3A_115 = arith.constant 0 : i32
    %dma_wait3A_116 = arith.constant 0 : i32
    %dma_wait3A_117 = tpu.memref_slice %arg10[%dma_wait3A, %dma_wait3A_115, %dma_wait3A_116] : memref<2x40x128xi32, #tpu.memory_space<vmem>> -> memref<1x40x128xi32, #tpu.memory_space<vmem>>
    %dma_wait3A_118 = tpu.memref_squeeze %dma_wait3A_117 : memref<1x40x128xi32, #tpu.memory_space<vmem>> -> memref<40x128xi32, #tpu.memory_space<vmem>>
    %dma_wait3A_119 = arith.constant 0 : i32
    %dma_wait3A_120 = tpu.memref_slice %arg5[%mul3A_2, %dma_wait3A_119] : memref<320000x128xi32, #tpu.memory_space<hbm>> -> memref<40x128xi32, #tpu.memory_space<hbm>>
    %dma_wait3A_121 = tpu.memref_slice %arg13[%dma_wait3A_114] : memref<2x!tpu.dma_semaphore, #tpu.memory_space<semaphore_mem>> -> memref<1x!tpu.dma_semaphore, #tpu.memory_space<semaphore_mem>>
    %dma_wait3A_122 = tpu.memref_squeeze %dma_wait3A_121 : memref<1x!tpu.dma_semaphore, #tpu.memory_space<semaphore_mem>> -> memref<!tpu.dma_semaphore, #tpu.memory_space<semaphore_mem>>
    %dma_wait3A_123 = arith.constant 0 : i32
    %dma_wait3A_124 = tpu.memref_slice %arg5[%mul3A_2, %dma_wait3A_123] : memref<320000x128xi32, #tpu.memory_space<hbm>> -> memref<40x128xi32, #tpu.memory_space<hbm>>
    %dma_wait3A_125 = arith.constant 0 : i32
    %dma_wait3A_126 = arith.constant 0 : i32
    %dma_wait3A_127 = tpu.memref_slice %arg10[%dma_wait3A, %dma_wait3A_125, %dma_wait3A_126] : memref<2x40x128xi32, #tpu.memory_space<vmem>> -> memref<1x40x128xi32, #tpu.memory_space<vmem>>
    %dma_wait3A_128 = tpu.memref_squeeze %dma_wait3A_127 : memref<1x40x128xi32, #tpu.memory_space<vmem>> -> memref<40x128xi32, #tpu.memory_space<vmem>>
    tpu.wait_dma2 semaphore(%dma_wait3A_122 : memref<!tpu.dma_semaphore, #tpu.memory_space<semaphore_mem>>) src(%dma_wait3A_128 : memref<40x128xi32, #tpu.memory_space<vmem>>) dst(%dma_wait3A_124 : memref<40x128xi32, #tpu.memory_space<hbm>>)
    %dma_wait3A_129 = arith.constant 1 : i32
    %dma_wait3A_130 = arith.constant 1 : i32
    %dma_wait3A_131 = arith.constant 0 : i32
    %dma_wait3A_132 = arith.constant 0 : i32
    %dma_wait3A_133 = tpu.memref_slice %arg10[%dma_wait3A_129, %dma_wait3A_131, %dma_wait3A_132] : memref<2x40x128xi32, #tpu.memory_space<vmem>> -> memref<1x40x128xi32, #tpu.memory_space<vmem>>
    %dma_wait3A_134 = tpu.memref_squeeze %dma_wait3A_133 : memref<1x40x128xi32, #tpu.memory_space<vmem>> -> memref<40x128xi32, #tpu.memory_space<vmem>>
    %dma_wait3A_135 = arith.constant 0 : i32
    %dma_wait3A_136 = tpu.memref_slice %arg5[%mul3A_2, %dma_wait3A_135] : memref<320000x128xi32, #tpu.memory_space<hbm>> -> memref<40x128xi32, #tpu.memory_space<hbm>>
    %dma_wait3A_137 = tpu.memref_slice %arg13[%dma_wait3A_130] : memref<2x!tpu.dma_semaphore, #tpu.memory_space<semaphore_mem>> -> memref<1x!tpu.dma_semaphore, #tpu.memory_space<semaphore_mem>>
    %dma_wait3A_138 = tpu.memref_squeeze %dma_wait3A_137 : memref<1x!tpu.dma_semaphore, #tpu.memory_space<semaphore_mem>> -> memref<!tpu.dma_semaphore, #tpu.memory_space<semaphore_mem>>
    %dma_wait3A_139 = arith.constant 0 : i32
    %dma_wait3A_140 = tpu.memref_slice %arg5[%mul3A_2, %dma_wait3A_139] : memref<320000x128xi32, #tpu.memory_space<hbm>> -> memref<40x128xi32, #tpu.memory_space<hbm>>
    %dma_wait3A_141 = arith.constant 0 : i32
    %dma_wait3A_142 = arith.constant 0 : i32
    %dma_wait3A_143 = tpu.memref_slice %arg10[%dma_wait3A_129, %dma_wait3A_141, %dma_wait3A_142] : memref<2x40x128xi32, #tpu.memory_space<vmem>> -> memref<1x40x128xi32, #tpu.memory_space<vmem>>
    %dma_wait3A_144 = tpu.memref_squeeze %dma_wait3A_143 : memref<1x40x128xi32, #tpu.memory_space<vmem>> -> memref<40x128xi32, #tpu.memory_space<vmem>>
    tpu.wait_dma2 semaphore(%dma_wait3A_138 : memref<!tpu.dma_semaphore, #tpu.memory_space<semaphore_mem>>) src(%dma_wait3A_144 : memref<40x128xi32, #tpu.memory_space<vmem>>) dst(%dma_wait3A_140 : memref<40x128xi32, #tpu.memory_space<hbm>>)
    return
  }
}

module attributes {stable_mosaic.version = 14 : i64} {
  func.func @_tc_mlp_kernel(%arg0: i32, %arg1: memref<2560x128xi32, #tpu.memory_space<vmem>>, %arg2: memref<128x128xbf16, #tpu.memory_space<vmem>>, %arg3: memref<1x128xbf16, #tpu.memory_space<vmem>>, %arg4: memref<128x7xbf16, #tpu.memory_space<vmem>>, %arg5: memref<7x1xf32, #tpu.memory_space<vmem>>, %arg6: memref<128x128xbf16, #tpu.memory_space<vmem>>, %arg7: memref<1x128xbf16, #tpu.memory_space<vmem>>, %arg8: memref<128x1xbf16, #tpu.memory_space<vmem>>, %arg9: memref<1x1xf32, #tpu.memory_space<vmem>>, %arg10: memref<7x2560xf32, #tpu.memory_space<vmem>>, %arg11: memref<1x2560xf32, #tpu.memory_space<vmem>>, %arg12: memref<1x2560xf32, #tpu.memory_space<vmem>>) attributes {dimension_semantics = [#tpu.dimension_semantics<arbitrary>], iteration_bounds = array<i64: 125>, scalar_prefetch = 0 : i64, scratch_operands = 0 : i64, tpu.core_type = #tpu.core_type<tc>, window_params = [{transform_indices = @transform_0, window_bounds = array<i64: 2560, 128>}, {pipeline_mode = #tpu.pipeline_mode<synchronous>, transform_indices = @transform_1, window_bounds = array<i64: 128, 128>}, {pipeline_mode = #tpu.pipeline_mode<synchronous>, transform_indices = @transform_2, window_bounds = array<i64: 1, 128>}, {pipeline_mode = #tpu.pipeline_mode<synchronous>, transform_indices = @transform_3, window_bounds = array<i64: 128, 7>}, {pipeline_mode = #tpu.pipeline_mode<synchronous>, transform_indices = @transform_4, window_bounds = array<i64: 7, 1>}, {pipeline_mode = #tpu.pipeline_mode<synchronous>, transform_indices = @transform_5, window_bounds = array<i64: 128, 128>}, {pipeline_mode = #tpu.pipeline_mode<synchronous>, transform_indices = @transform_6, window_bounds = array<i64: 1, 128>}, {pipeline_mode = #tpu.pipeline_mode<synchronous>, transform_indices = @transform_7, window_bounds = array<i64: 128, 1>}, {pipeline_mode = #tpu.pipeline_mode<synchronous>, transform_indices = @transform_8, window_bounds = array<i64: 1, 1>}, {transform_indices = @transform_9, window_bounds = array<i64: 7, 2560>}, {transform_indices = @transform_10, window_bounds = array<i64: 1, 2560>}, {transform_indices = @transform_11, window_bounds = array<i64: 1, 2560>}]} {
    %get3A = arith.constant 0 : index
    %get3A_0 = arith.constant 0 : index
    %get3A_1 = vector.load %arg1[%get3A, %get3A_0] : memref<2560x128xi32, #tpu.memory_space<vmem>>, vector<2560x128xi32>
    %slice3A = vector.extract_strided_slice %get3A_1 {offsets = [0, 0], sizes = [2560, 64], strides = [1, 1]} : vector<2560x128xi32> to vector<2560x64xi32>
    %shift_left3A = arith.constant 16 : i32
    %shift_left3A_2 = vector.broadcast %shift_left3A : i32 to vector<2560x64xi32>
    %shift_left3A_3 = arith.shli %slice3A, %shift_left3A_2 : vector<2560x64xi32>
    %bitcast_convert_type3A = tpu.bitcast %shift_left3A_3 : vector<2560x64xi32> -> vector<2560x64xf32>
    %convert_element_type3A = arith.truncf %bitcast_convert_type3A : vector<2560x64xf32> to vector<2560x64xbf16>
    %bitcast_convert_type3A_4 = tpu.bitcast %slice3A : vector<2560x64xi32> -> vector<2560x64xf32>
    %convert_element_type3A_5 = arith.truncf %bitcast_convert_type3A_4 : vector<2560x64xf32> to vector<2560x64xbf16>
    %concatenate3A = tpu.concatenate %convert_element_type3A, %convert_element_type3A_5 in 1 : vector<2560x64xbf16>, vector<2560x64xbf16> -> vector<2560x128xbf16>
    %slice3A_6 = vector.extract_strided_slice %get3A_1 {offsets = [0, 64], sizes = [2560, 64], strides = [1, 1]} : vector<2560x128xi32> to vector<2560x64xi32>
    %shift_left3A_7 = arith.constant 16 : i32
    %shift_left3A_8 = vector.broadcast %shift_left3A_7 : i32 to vector<2560x64xi32>
    %shift_left3A_9 = arith.shli %slice3A_6, %shift_left3A_8 : vector<2560x64xi32>
    %bitcast_convert_type3A_10 = tpu.bitcast %shift_left3A_9 : vector<2560x64xi32> -> vector<2560x64xf32>
    %convert_element_type3A_11 = arith.truncf %bitcast_convert_type3A_10 : vector<2560x64xf32> to vector<2560x64xbf16>
    %bitcast_convert_type3A_12 = tpu.bitcast %slice3A_6 : vector<2560x64xi32> -> vector<2560x64xf32>
    %convert_element_type3A_13 = arith.truncf %bitcast_convert_type3A_12 : vector<2560x64xf32> to vector<2560x64xbf16>
    %concatenate3A_14 = tpu.concatenate %convert_element_type3A_11, %convert_element_type3A_13 in 1 : vector<2560x64xbf16>, vector<2560x64xbf16> -> vector<2560x128xbf16>
    %get3A_15 = arith.constant 0 : index
    %get3A_16 = arith.constant 0 : index
    %get3A_17 = vector.load %arg6[%get3A_15, %get3A_16] : memref<128x128xbf16, #tpu.memory_space<vmem>>, vector<128x128xbf16>
    %dot_general3A = arith.constant dense<0.000000e+00> : vector<2560x128xf32>
    %dot_general3A_18 = tpu.matmul %concatenate3A, %get3A_17, %dot_general3A {dimension_numbers = #tpu.dot_dimension_numbers<[1], [0], [0], [1], [0, 0, 1, 1], [], []>, transpose_lhs_hint = false} : vector<2560x128xbf16>, vector<128x128xbf16>, vector<2560x128xf32> -> vector<2560x128xf32>
    %convert_element_type3A_19 = arith.truncf %dot_general3A_18 : vector<2560x128xf32> to vector<2560x128xbf16>
    %get3A_20 = arith.constant 0 : index
    %get3A_21 = arith.constant 0 : index
    %get3A_22 = vector.load %arg7[%get3A_20, %get3A_21] : memref<1x128xbf16, #tpu.memory_space<vmem>>, vector<1x128xbf16>
    %add3A = vector.broadcast %get3A_22 : vector<1x128xbf16> to vector<2560x128xbf16>
    %add3A_23 = arith.addf %convert_element_type3A_19, %add3A : vector<2560x128xbf16>
    %max3A = arith.constant 0.000000e+00 : bf16
    %max3A_24 = vector.broadcast %max3A : bf16 to vector<2560x128xbf16>
    %max3A_25 = arith.maximumf %add3A_23, %max3A_24 : vector<2560x128xbf16>
    %get3A_26 = arith.constant 0 : index
    %get3A_27 = arith.constant 0 : index
    %get3A_28 = vector.load %arg8[%get3A_26, %get3A_27] : memref<128x1xbf16, #tpu.memory_space<vmem>>, vector<128x1xbf16>
    %dot_general3A_29 = arith.constant dense<0.000000e+00> : vector<1x2560xf32>
    %dot_general3A_30 = tpu.matmul %get3A_28, %max3A_25, %dot_general3A_29 {dimension_numbers = #tpu.dot_dimension_numbers<[0], [1], [1], [0], [0, 1, 1, 0], [], []>, transpose_lhs_hint = false} : vector<128x1xbf16>, vector<2560x128xbf16>, vector<1x2560xf32> -> vector<1x2560xf32>
    %get3A_31 = arith.constant 0 : index
    %get3A_32 = arith.constant 0 : index
    %get3A_33 = vector.load %arg9[%get3A_31, %get3A_32] : memref<1x1xf32, #tpu.memory_space<vmem>>, vector<1x1xf32>
    %add3A_34 = vector.broadcast %get3A_33 : vector<1x1xf32> to vector<1x2560xf32>
    %add3A_35 = arith.addf %dot_general3A_30, %add3A_34 : vector<1x2560xf32>
    %logistic3A = arith.negf %add3A_35 : vector<1x2560xf32>
    %logistic3A_36 = math.exp %logistic3A : vector<1x2560xf32>
    %logistic3A_37 = arith.constant 1.000000e+00 : f32
    %logistic3A_38 = vector.broadcast %logistic3A_37 : f32 to vector<1x2560xf32>
    %logistic3A_39 = arith.addf %logistic3A_38, %logistic3A_36 : vector<1x2560xf32>
    %logistic3A_40 = arith.divf %logistic3A_38, %logistic3A_39 : vector<1x2560xf32>
    %swap3A = arith.constant 0 : index
    %swap3A_41 = arith.constant 0 : index
    %swap3A_42 = vector.load %arg11[%swap3A, %swap3A_41] : memref<1x2560xf32, #tpu.memory_space<vmem>>, vector<1x2560xf32>
    tpu.vector_store %arg11[%swap3A, %swap3A_41], %logistic3A_40 {strides = array<i32>} : memref<1x2560xf32, #tpu.memory_space<vmem>>, vector<1x2560xf32>,
    %get3A_43 = arith.constant 0 : index
    %get3A_44 = arith.constant 0 : index
    %get3A_45 = vector.load %arg6[%get3A_43, %get3A_44] : memref<128x128xbf16, #tpu.memory_space<vmem>>, vector<128x128xbf16>
    %dot_general3A_46 = arith.constant dense<0.000000e+00> : vector<2560x128xf32>
    %dot_general3A_47 = tpu.matmul %concatenate3A_14, %get3A_45, %dot_general3A_46 {dimension_numbers = #tpu.dot_dimension_numbers<[1], [0], [0], [1], [0, 0, 1, 1], [], []>, transpose_lhs_hint = false} : vector<2560x128xbf16>, vector<128x128xbf16>, vector<2560x128xf32> -> vector<2560x128xf32>
    %convert_element_type3A_48 = arith.truncf %dot_general3A_47 : vector<2560x128xf32> to vector<2560x128xbf16>
    %get3A_49 = arith.constant 0 : index
    %get3A_50 = arith.constant 0 : index
    %get3A_51 = vector.load %arg7[%get3A_49, %get3A_50] : memref<1x128xbf16, #tpu.memory_space<vmem>>, vector<1x128xbf16>
    %add3A_52 = vector.broadcast %get3A_51 : vector<1x128xbf16> to vector<2560x128xbf16>
    %add3A_53 = arith.addf %convert_element_type3A_48, %add3A_52 : vector<2560x128xbf16>
    %max3A_54 = arith.constant 0.000000e+00 : bf16
    %max3A_55 = vector.broadcast %max3A_54 : bf16 to vector<2560x128xbf16>
    %max3A_56 = arith.maximumf %add3A_53, %max3A_55 : vector<2560x128xbf16>
    %get3A_57 = arith.constant 0 : index
    %get3A_58 = arith.constant 0 : index
    %get3A_59 = vector.load %arg8[%get3A_57, %get3A_58] : memref<128x1xbf16, #tpu.memory_space<vmem>>, vector<128x1xbf16>
    %dot_general3A_60 = arith.constant dense<0.000000e+00> : vector<1x2560xf32>
    %dot_general3A_61 = tpu.matmul %get3A_59, %max3A_56, %dot_general3A_60 {dimension_numbers = #tpu.dot_dimension_numbers<[0], [1], [1], [0], [0, 1, 1, 0], [], []>, transpose_lhs_hint = false} : vector<128x1xbf16>, vector<2560x128xbf16>, vector<1x2560xf32> -> vector<1x2560xf32>
    %get3A_62 = arith.constant 0 : index
    %get3A_63 = arith.constant 0 : index
    %get3A_64 = vector.load %arg9[%get3A_62, %get3A_63] : memref<1x1xf32, #tpu.memory_space<vmem>>, vector<1x1xf32>
    %add3A_65 = vector.broadcast %get3A_64 : vector<1x1xf32> to vector<1x2560xf32>
    %add3A_66 = arith.addf %dot_general3A_61, %add3A_65 : vector<1x2560xf32>
    %logistic3A_67 = arith.negf %add3A_66 : vector<1x2560xf32>
    %logistic3A_68 = math.exp %logistic3A_67 : vector<1x2560xf32>
    %logistic3A_69 = arith.constant 1.000000e+00 : f32
    %logistic3A_70 = vector.broadcast %logistic3A_69 : f32 to vector<1x2560xf32>
    %logistic3A_71 = arith.addf %logistic3A_70, %logistic3A_68 : vector<1x2560xf32>
    %logistic3A_72 = arith.divf %logistic3A_70, %logistic3A_71 : vector<1x2560xf32>
    %swap3A_73 = arith.constant 0 : index
    %swap3A_74 = arith.constant 0 : index
    %swap3A_75 = vector.load %arg12[%swap3A_73, %swap3A_74] : memref<1x2560xf32, #tpu.memory_space<vmem>>, vector<1x2560xf32>
    tpu.vector_store %arg12[%swap3A_73, %swap3A_74], %logistic3A_72 {strides = array<i32>} : memref<1x2560xf32, #tpu.memory_space<vmem>>, vector<1x2560xf32>,
    %get3A_76 = arith.constant 0 : index
    %get3A_77 = arith.constant 0 : index
    %get3A_78 = vector.load %arg2[%get3A_76, %get3A_77] : memref<128x128xbf16, #tpu.memory_space<vmem>>, vector<128x128xbf16>
    %dot_general3A_79 = arith.constant dense<0.000000e+00> : vector<2560x128xf32>
    %dot_general3A_80 = tpu.matmul %concatenate3A, %get3A_78, %dot_general3A_79 {dimension_numbers = #tpu.dot_dimension_numbers<[1], [0], [0], [1], [0, 0, 1, 1], [], []>, transpose_lhs_hint = false} : vector<2560x128xbf16>, vector<128x128xbf16>, vector<2560x128xf32> -> vector<2560x128xf32>
    %convert_element_type3A_81 = arith.truncf %dot_general3A_80 : vector<2560x128xf32> to vector<2560x128xbf16>
    %get3A_82 = arith.constant 0 : index
    %get3A_83 = arith.constant 0 : index
    %get3A_84 = vector.load %arg3[%get3A_82, %get3A_83] : memref<1x128xbf16, #tpu.memory_space<vmem>>, vector<1x128xbf16>
    %add3A_85 = vector.broadcast %get3A_84 : vector<1x128xbf16> to vector<2560x128xbf16>
    %add3A_86 = arith.addf %convert_element_type3A_81, %add3A_85 : vector<2560x128xbf16>
    %max3A_87 = arith.constant 0.000000e+00 : bf16
    %max3A_88 = vector.broadcast %max3A_87 : bf16 to vector<2560x128xbf16>
    %max3A_89 = arith.maximumf %add3A_86, %max3A_88 : vector<2560x128xbf16>
    %get3A_90 = arith.constant 0 : index
    %get3A_91 = arith.constant 0 : index
    %get3A_92 = vector.load %arg4[%get3A_90, %get3A_91] : memref<128x7xbf16, #tpu.memory_space<vmem>>, vector<128x7xbf16>
    %dot_general3A_93 = arith.constant dense<0.000000e+00> : vector<7x2560xf32>
    %dot_general3A_94 = tpu.matmul %get3A_92, %max3A_89, %dot_general3A_93 {dimension_numbers = #tpu.dot_dimension_numbers<[0], [1], [1], [0], [0, 1, 1, 0], [], []>, transpose_lhs_hint = false} : vector<128x7xbf16>, vector<2560x128xbf16>, vector<7x2560xf32> -> vector<7x2560xf32>
    %get3A_95 = arith.constant 0 : index
    %get3A_96 = arith.constant 0 : index
    %get3A_97 = vector.load %arg5[%get3A_95, %get3A_96] : memref<7x1xf32, #tpu.memory_space<vmem>>, vector<7x1xf32>
    %add3A_98 = vector.broadcast %get3A_97 : vector<7x1xf32> to vector<7x2560xf32>
    %add3A_99 = arith.addf %dot_general3A_94, %add3A_98 : vector<7x2560xf32>
    %logistic3A_100 = arith.negf %add3A_99 : vector<7x2560xf32>
    %logistic3A_101 = math.exp %logistic3A_100 : vector<7x2560xf32>
    %logistic3A_102 = arith.constant 1.000000e+00 : f32
    %logistic3A_103 = vector.broadcast %logistic3A_102 : f32 to vector<7x2560xf32>
    %logistic3A_104 = arith.addf %logistic3A_103, %logistic3A_101 : vector<7x2560xf32>
    %logistic3A_105 = arith.divf %logistic3A_103, %logistic3A_104 : vector<7x2560xf32>
    %swap3A_106 = arith.constant 0 : index
    %swap3A_107 = arith.constant 0 : index
    %swap3A_108 = vector.load %arg10[%swap3A_106, %swap3A_107] : memref<7x2560xf32, #tpu.memory_space<vmem>>, vector<7x2560xf32>
    tpu.vector_store %arg10[%swap3A_106, %swap3A_107], %logistic3A_105 {strides = array<i32>} : memref<7x2560xf32, #tpu.memory_space<vmem>>, vector<7x2560xf32>,
    return
  }
  func.func @transform_0(%arg0: i32) -> (i32, i32) {
    %c0_i32 = arith.constant 0 : i32
    %c0_i32_0 = arith.constant 0 : i32
    return %arg0, %c0_i32 : i32, i32
  }
  func.func @transform_1(%arg0: i32) -> (i32, i32) {
    %c0_i32 = arith.constant 0 : i32
    %c0_i32_0 = arith.constant 0 : i32
    %c0_i32_1 = arith.constant 0 : i32
    return %c0_i32, %c0_i32_0 : i32, i32
  }
  func.func @transform_2(%arg0: i32) -> (i32, i32) {
    %c0_i32 = arith.constant 0 : i32
    %c0_i32_0 = arith.constant 0 : i32
    %c0_i32_1 = arith.constant 0 : i32
    return %c0_i32, %c0_i32_0 : i32, i32
  }
  func.func @transform_3(%arg0: i32) -> (i32, i32) {
    %c0_i32 = arith.constant 0 : i32
    %c0_i32_0 = arith.constant 0 : i32
    %c0_i32_1 = arith.constant 0 : i32
    return %c0_i32, %c0_i32_0 : i32, i32
  }
  func.func @transform_4(%arg0: i32) -> (i32, i32) {
    %c0_i32 = arith.constant 0 : i32
    %c0_i32_0 = arith.constant 0 : i32
    %c0_i32_1 = arith.constant 0 : i32
    return %c0_i32, %c0_i32_0 : i32, i32
  }
  func.func @transform_5(%arg0: i32) -> (i32, i32) {
    %c0_i32 = arith.constant 0 : i32
    %c0_i32_0 = arith.constant 0 : i32
    %c0_i32_1 = arith.constant 0 : i32
    return %c0_i32, %c0_i32_0 : i32, i32
  }
  func.func @transform_6(%arg0: i32) -> (i32, i32) {
    %c0_i32 = arith.constant 0 : i32
    %c0_i32_0 = arith.constant 0 : i32
    %c0_i32_1 = arith.constant 0 : i32
    return %c0_i32, %c0_i32_0 : i32, i32
  }
  func.func @transform_7(%arg0: i32) -> (i32, i32) {
    %c0_i32 = arith.constant 0 : i32
    %c0_i32_0 = arith.constant 0 : i32
    %c0_i32_1 = arith.constant 0 : i32
    return %c0_i32, %c0_i32_0 : i32, i32
  }
  func.func @transform_8(%arg0: i32) -> (i32, i32) {
    %c0_i32 = arith.constant 0 : i32
    %c0_i32_0 = arith.constant 0 : i32
    %c0_i32_1 = arith.constant 0 : i32
    return %c0_i32, %c0_i32_0 : i32, i32
  }
  func.func @transform_9(%arg0: i32) -> (i32, i32) {
    %c0_i32 = arith.constant 0 : i32
    %c0_i32_0 = arith.constant 0 : i32
    return %c0_i32, %arg0 : i32, i32
  }
  func.func @transform_10(%arg0: i32) -> (i32, i32) {
    %c0_i32 = arith.constant 0 : i32
    %c0_i32_0 = arith.constant 0 : i32
    return %c0_i32, %arg0 : i32, i32
  }
  func.func @transform_11(%arg0: i32) -> (i32, i32) {
    %c0_i32 = arith.constant 0 : i32
    %c0_i32_0 = arith.constant 0 : i32
    return %c0_i32, %arg0 : i32, i32
  }
}

</mosaic_0001>

<sc_bundles>
// kernel: kernel.4.cloned.1.call-start
scs
__scs_entry_jumppad:
0x0: {  	(pc) =	sbr.rel $0x88, $3  }
0x1: {  	(tag) =	ssettag $0x0;
	lr =	simm.s32 $0x1  }
0x2: {  	[smem:$0x3F96] =	sst lr;
	_ =	strace $0xD0000000  }
0x3: {  	_ = 	snop  }
0x4: {  	_ = 	snop  }
0x5: {  	_ = 	snop  }
0x6: {  	_ = 	snop  }
0x7: {  	_ = 	snop  }
__scs_overlays_trampoline_lowered:
0x8: {  	[smem:$0x3FA5] =	sst s0  }
0x9: {  	[smem:$0x3FA6] =	sst s1  }
0xa: {  	[smem:$0x3FA7] =	sst s2  }
0xb: {  	[smem:$0x3FA8] =	sst s3  }
0xc: {  	[smem:$0x3FA9] =	sst s4  }
0xd: {  	[smem:$0x3FAA] =	sst s5  }
0xe: {  	[smem:$0x3FAB] =	sst s6  }
0xf: {  	[smem:$0x3FAC] =	sst s7  }
0x10: {  	[smem:$0x3FAD] =	sst s8  }
0x11: {  	[smem:$0x3FAE] =	sst s9;
	s0 =	simm.s32 @!p0 $0x0  }
0x12: {  	s1 =	sld [smem:$0x3F94];
	s0 =	simm.s32 @p0 $0x1  }
0x13: {  	[smem:$0x3FAF] =	sst s0;
	s0 =	simm.s32 @!p1 $0x0  }
0x14: {  	s2 =	sld [smem:$0x3F93];
	s0 =	simm.s32 @p1 $0x1  }
0x15: {  	[smem:$0x3FB0] =	sst s0;
	s0 =	simm.s32 @!p2 $0x0  }
0x16: {  	s3 =	sld [smem:$0x3FDB];
	s0 =	simm.s32 @p2 $0x1  }
0x17: {  	s4 =	simm.s32 $0x1BF5;
	[smem:$0x3FB2] =	sst s0  }
0x18: {  	s0 =	sld [smem:$0x3F95];
	_ =	swait.ge [sflag:s4], $0x0  }
0x19: {  	s7 =	sld [smem:$0x3F96]  }
0x1a: {  	s8 =	sadd.s32 $0xFFFFE003, lr  }
0x1b: {  	s9 =	sadd.s32 $0xFFFFFEF7, lr;
	s5 =	simm.s32 $0xFFFFFFFF;
	p2 =	slt.u32 s8, $0xFFFFF086  }
0x1c: {  	p1 =	slt.u32 s9, $0xF7A;
	s5 =	simm.s32 @!p2 $0x0  }
0x1d: {  	s5 =	simm.s32 @p1 $0x1;
	p0 =	seq.s32 s7, s2  }
0x1e: {  	s7 =	smul.u32 @!p0 $0xF7A, s2;
	p2 =	seq.s32 @!p0 s5, $0x0  }
0x1f: {  	s9 =	smul.u32 $0xF7A, s1;
	s8 =	simm.s32 @!p0 $0x1BF5;
	p2 =	por !p2, p0  }
0x20: {  	[sflag:s8] =	ssyncset.s32 @!p0 $0xFFFFF086;
	s6 =	sadd.s32 @!p0 s3, s7;
	s7 =	simm.s32 @!p0 $0x108  }
0x21: {  	s3 =	sadd.s32 s3, s9;
	s6 =	sadd.s32 @!p0 $0x88, s6;
	s7 =	simm.s32 @p2 $0x1082  }
0x22: {  	[simem:s7], [sflag:s8] =	dma.local @!p0 [hbm:s6], $0xF7A  }
0x23: {  	s9 =	sor.u32 $0xD0000000, s2;
	s6 =	simm.s32 $0x108;
	_ =	swait.ge @!p0 [sflag:s8], $0x0  }
0x24: {  	s3 =	sadd.s32 $0x88, s3;
	s6 =	simm.s32 @!p1 $0x1082;
	[sflag:s4] =	ssyncset.s32 $0xFFFFF086  }
0x25: {  	[simem:s6], [sflag:s4] =	dma.local [hbm:s3], $0xF7A  }
0x26: {  	[smem:$0x3F96] =	sst s1;
	(tag) =	ssettag s2;
	_ =	strace s9  }
0x27: {  	s1 =	sld [smem:$0x3FA6]  }
0x28: {  	s2 =	sld [smem:$0x3FA7]  }
0x29: {  	s4 =	sld [smem:$0x3FA9]  }
0x2a: {  	p0 =	seq.s32 s5, $0x0;
	s5 =	sld [smem:$0x3FAA]  }
0x2b: {  	s6 =	sld [smem:$0x3FAB]  }
0x2c: {  	s7 =	sld [smem:$0x3FAC]  }
0x2d: {  	s3 =	simm.s32 $0x108;
	s8 =	sld [smem:$0x3FAD]  }
0x2e: {  	s3 =	simm.s32 @!p0 $0x1082;
	s9 =	sld [smem:$0x3FAE]  }
0x2f: {  	lr =	sadd.s32 s0, s3;
	s0 =	sld [smem:$0x3FA5]  }
0x30: {  	s3 =	sld [smem:$0x3FA8]  }
0x31: {  	[smem:$0x3FB1] =	sst s10  }
0x32: {  	s10 =	sld [smem:$0x3FAF];
	_ =	sdelay $0x3  }
0x33: {  	p0 =	seq.s32 s10, $0x1;
	s10 =	sld [smem:$0x3FB1];
	_ =	sdelay $0x3  }
0x34: {  	[smem:$0x3FB1] =	sst s10  }
0x35: {  	s10 =	sld [smem:$0x3FB0];
	_ =	sdelay $0x3  }
0x36: {  	p1 =	seq.s32 s10, $0x1;
	s10 =	sld [smem:$0x3FB1];
	_ =	sdelay $0x3  }
0x37: {  	[smem:$0x3FB1] =	sst s10  }
0x38: {  	s10 =	sld [smem:$0x3FB2]  }
0x39: {  	_ = 	snop;
	(pc) =	sbr.ind lr, $3  }
0x3a: {  	_ = 	snop  }
0x3b: {  	_ = 	snop  }
0x3c: {  	p2 =	seq.s32 s10, $0x1;
	s10 =	sld [smem:$0x3FB1]  }
0x3d: {  	_ =	shalt  }
0x3e: {  	_ =	shalt  }
0x3f: {  	_ =	shalt  }
0x40: {  	_ =	shalt  }
0x41: {  	_ =	shalt  }
0x42: {  	_ =	shalt  }
0x43: {  	_ =	shalt  }
0x44: {  	_ =	shalt  }
0x45: {  	_ =	shalt  }
0x46: {  	_ =	shalt  }
0x47: {  	_ =	shalt  }
0x48: {  	_ =	shalt  }
0x49: {  	_ =	shalt  }
0x4a: {  	_ =	shalt  }
0x4b: {  	_ =	shalt  }
0x4c: {  	_ =	shalt  }
0x4d: {  	_ =	shalt  }
0x4e: {  	_ =	shalt  }
0x4f: {  	_ =	shalt  }
0x50: {  	_ =	shalt  }
0x51: {  	_ =	shalt  }
0x52: {  	_ =	shalt  }
0x53: {  	_ =	shalt  }
0x54: {  	_ =	shalt  }
0x55: {  	_ =	shalt  }
0x56: {  	_ =	shalt  }
0x57: {  	_ =	shalt  }
0x58: {  	_ =	shalt  }
0x59: {  	_ =	shalt  }
0x5a: {  	_ =	shalt  }
0x5b: {  	_ =	shalt  }
0x5c: {  	_ =	shalt  }
0x5d: {  	_ =	shalt  }
0x5e: {  	_ =	shalt  }
0x5f: {  	_ =	shalt  }
0x60: {  	_ =	shalt  }
0x61: {  	_ =	shalt  }
0x62: {  	_ =	shalt  }
0x63: {  	_ =	shalt  }
0x64: {  	_ =	shalt  }
0x65: {  	_ =	shalt  }
0x66: {  	_ =	shalt  }
0x67: {  	_ =	shalt  }
0x68: {  	_ =	shalt  }
0x69: {  	_ =	shalt  }
0x6a: {  	_ =	shalt  }
0x6b: {  	_ =	shalt  }
0x6c: {  	_ =	shalt  }
0x6d: {  	_ =	shalt  }
0x6e: {  	_ =	shalt  }
0x6f: {  	_ =	shalt  }
0x70: {  	_ =	shalt  }
0x71: {  	_ =	shalt  }
0x72: {  	_ =	shalt  }
0x73: {  	_ =	shalt  }
0x74: {  	_ =	shalt  }
0x75: {  	_ =	shalt  }
0x76: {  	_ =	shalt  }
0x77: {  	_ =	shalt  }
0x78: {  	_ =	shalt  }
0x79: {  	_ =	shalt  }
0x7a: {  	_ =	shalt  }
0x7b: {  	_ =	shalt  }
0x7c: {  	_ =	shalt  }
0x7d: {  	_ =	shalt  }
0x7e: {  	_ =	shalt  }
0x7f: {  	_ =	shalt  }
0x80: {  	_ =	shalt  }
0x81: {  	_ =	shalt  }
0x82: {  	_ =	shalt  }
0x83: {  	_ =	shalt  }
0x84: {  	_ =	shalt  }
0x85: {  	_ =	shalt  }
0x86: {  	_ =	shalt  }
0x87: {  	_ =	shalt  }
.Lfunc_end0:
.L_simem_size_0:
called_computation_lowered:
.L_overlay_start_0:
0x88: {  	s2 =	sld [smem:$0x3FD9]  }
0x89: {  	s3 =	sld [smem:$0x3FFE];
	_ =	sdelay $0x1  }
0x8a: {  	s1 =	srdreg.scid  }
0x8b: {  	s0 =	sand.u32 $0x1, s1  }
0x8c: {  	s14 =	sshll.u32 s0, $0xA;
	s2 =	sadd.s32 s3, s2  }
0x8d: {  	s2 =	sadd.s32 s2, s14  }
0x8e: {  	[smem:$0x3FBD] =	sst s2  }
0x8f: {  	_ = 	snop  }
0x90: {  	s2 =	sld [smem:$0x3FD0];
	_ =	sdelay $0x2  }
0x91: {  	s15 =	simm.s32 $0xA;
	s4 =	simm.s32 $0x10  }
0x92: {  	[smem:s4], [sflag:s15] =	dma.local [hbm:s2], $0x1  }
0x93: {  	_ =	swait.eq [sflag:s15], $0x1  }
0x94: {  	[sflag:s15] =	ssyncset.done $0x0  }
0x95: {  	[sflag:s15] =	ssyncadd.s32 $0xFFFFFFFF  }
0x96: {  	s16 =	sld [smem:$0x10];
	(tm) =	ssettm $0x1  }
0x97: {  	s17 =	sld [smem:$0x3FFB];
	_ =	sdelay $0x3  }
0x98: {  	_ =	strace s17  }
0x99: {  	s3 =	sld [smem:$0x3FFC];
	_ =	sdelay $0x3  }
0x9a: {  	_ =	strace s3  }
0x9b: {  	s3 =	sld [smem:$0x3FFD];
	_ =	sdelay $0x3  }
0x9c: {  	_ =	strace s3  }
0x9d: {  	_ =	strace $0x8FFFFFFF  }
0x9e: {  	s18 =	sld [smem:$0x3FDB];
	_ =	sdelay $0x1  }
0x9f: {  	s19 =	simm.s32 $_scs_section_size  }
0xa0: {  	s5 =	simm.s32 $_size__tile_overlayer_lowered;
	s6 =	simm.s32 $_tile_overlayer_lowered  }
0xa1: {  	s22 =	simm.s32 $0x1BFF;
	s21 =	sshll.u32 s6, $0x1;
	s3 =	sadd.s32 s19, s18  }
0xa2: {  	s7 =	simm.s32 $0x0;
	s20 =	sshll.u32 s5, $0x1;
	s5 =	sadd.s32 s21, s3  }
0xa3: {  	[timem:s7], [sflag:s22] =	dma.local [hbm:s5], s20  }
0xa4: {  	_ =	swait.ge [sflag:s22], s20  }
0xa5: {  	s4 =	ssub.s32 $0x0, s20;
	[sflag:s22] =	ssyncset.done $0x0  }
0xa6: {  	[sflag:s22] =	ssyncadd.s32 s4;
	_ =	sdelay $0x1  }
0xa7: {  	s23 =	simm.s32 $0x1B8B  }
0xa8: {  	_ =	swait.ge [sflag:s23], $0x1  }
0xa9: {  	[sflag:s23] =	ssyncset.done $0x0  }
0xaa: {  	s25 =	simm.s32 $0x1B8E;
	s24 =	sld [smem:$0x3FFE];
	[sflag:s23] =	ssyncadd.s32 $0xFFFFFFFF  }
0xab: {  	s26 =	simm.s32 $execute0_lowered;
	[smem:$0x3FD2] =	sst s25  }
0xac: {  	s5 =	sshll.u32 s26, $0x1;
	_ =	strace $0x80000046;
	[dreg:$0x1] =	wrdreg $0xFFFFFFFF  }
0xad: {  	s28 =	simm.s32 $_size_execute0_lowered;
	s3 =	sadd.s32 s3, s5;
	[dreg:$0x0] =	wrdreg $0x0  }
0xae: {  	s5 =	sshll.u32 s28, $0x1;
	[dreg:$0x2] =	wrdreg s3  }
0xaf: {  	[dreg:$0x3] =	wrdreg s5  }
0xb0: {  	[dreg:$0x4] =	wrdreg $0xC0  }
0xb1: {  	_ =	task [dreg:s7], $0x5FFFF  }
0xb2: {  	[dreg:$0x1] =	wrdreg $0xFFFFFFFF  }
0xb3: {  	[dreg:$0x0] =	wrdreg $0x60  }
0xb4: {  	[dreg:$0x2] =	wrdreg s16  }
0xb5: {  	[dreg:$0x3] =	wrdreg s24  }
0xb6: {  	[dreg:$0x4] =	wrdreg $0x9  }
0xb7: {  	_ =	task.clear_ibuf [dreg:s7], $0x5FFFF;
	_ =	strace $0x90000046  }
0xb8: {  	s29 =	simm.s32 $0x9;
	_ =	strace $0x80000048  }
0xb9: {  	_ =	swait.ge [sflag:s29], $0x1  }
0xba: {  	[sflag:s29] =	ssyncadd.s32 $0xFFFFFFFF  }
0xbb: {  	_ =	strace $0x90000048  }
0xbc: {  	_ =	sfence  }
0xbd: {  	s30 =	sld [smem:$0x0];
	_ =	sdelay $0x2  }
0xbe: {  	s31 =	sshll.u32 s1, $0xD;
	s1 =	sshrl.u32 s1, $0x2  }
0xbf: {  	s3 =	sand.u32 $0x4000, s31;
	s1 =	sadd.s32 s1, s30  }
0xc0: {  	s0 =	sor.u32 s3, s0;
	s1 =	sshll.u32 s1, $0x11  }
0xc1: {  	s0 =	sor.u32 s1, s0  }
0xc2: {  	s0 =	sadd.s32 $0x8F2B, s0  }
0xc3: {  	[sflag:s0] =	ssyncadd.remote.s32 $0x1  }
0xc4: {  	_ =	sfence.sel $0xFFFF  }
0xc5: {  	[dreg:$0x0] =	wrdreg $0xFFFFFFFF;
	(pc) =	sbr.abs _section_cstart, $3  }
0xc6: {  	[dreg:$0x1] =	wrdreg $0xFFFFFFFF  }
0xc7: {  	_ =	task.clear_ibuf [dreg:s7], $0x2FFFF;
	_ =	strace $0x9FFFFFFF  }
0xc8: {  	(tm) =	ssettm $0x7FFFFFFF  }
0xc9: {  	_ =	shalt  }
tec
execute0_lowered:
.L_overlay_start_1:
0x0: {  	(tag) =	ssettag $0x1  }
0x1: {  	s0 =	rddreg [dreg:$0x0]  }
0x2: {  	s1 =	rddreg [dreg:$0x1];
	s3 =	srdreg.scid  }
0x3: {  	s4 =	stileid.u32;
	s2 =	simm.s32 $0x0;
	s12 =	simm.s32 $0x7  }
0x4: {  	s16 =	simm.s32 $0x28;
	s28 =	simm.s32 $0xE240;
	s29 =	simm.s32 $0x1  }
0x5: {  	s30 =	simm.s32 $0x3;
	s31 =	simm.s32 $0xEC40;
	s17 =	simm.s32 $0x10040  }
0x6: {  	s19 =	simm.s32 $0x6;
	s20 =	simm.s32 $0x0;
	s5 =	sand.u32 $0x1, s3  }
0x7: {  	s21 =	sshll.u32 s4, $0x1;
	[smem:$0x7FF] =	sst s2;
	s6 =	sadd.s32 $0x1200, s1  }
0x8: {  	s4 =	sadd.s32 $0x14C00, s1;
	s3 =	sor.u32 s5, s21;
	s7 =	ssub.s32 $0x2, s5  }
0x9: {  	_ =	strace $0x80000047;
	s3 =	smul.u32 $0x2710, s3;
	s22 =	sshrl.u32 s7, $0x1  }
0xa: {  	s5 =	sadd.s32 $0x28600, s1;
	s21 =	simm.s32 $0xB040;
	s1 =	ssub.s32 s7, s22  }
0xb: {  	s8 =	sshrl.u32 s3, $0x3;
	s10 =	sadd.s32 $0x28, s3;
	s26 =	smax.u32 s1, $0x1  }
.Ltmp0:
0xc: {  	s23 =	sadd.s32 s0, s8;
	[dreg:$0x7] =	wrdreg s26;
	(pc) =	sbr.rel .LBB2_1-.Ltmp0, $4  }
0xd: {  	s24 =	sadd.s32 $0x9C40, s8;
	s8 =	sadd.s32 s6, s8;
	[dreg:$0x3] =	wrdreg s23  }
0xe: {  	s1 =	simm.s32 $0x4;
	[dreg:$0x4] =	wrdreg s8;
	s0 =	sadd.s32 s0, s24  }
0xf: {  	s25 =	sadd.s32 s6, s24;
	s23 =	simm.s32 $0xBA40;
	[dreg:$0x5] =	wrdreg s0  }
0x10: {  	v0 =	vimm.bf16 $0.0e+00;
	[dreg:$0x6] =	wrdreg s25;
	s25 =	simm.s32 $0xD840;
	s0 =	simm.s32 $0x2  }
.LBB2_8:
0x11: {  	s6 =	simm.s32 $0x5  }
0x12: {  	_ =	swait.ge [sflag:s6], $0x1400  }
0x13: {  	[sflag:s6] =	ssyncset.done $0x0  }
0x14: {  	[sflag:s6] =	ssyncadd.s32 $0xFFFFEC00  }
0x15: {  	_ =	swait.ge [sflag:s19], $0x1400  }
0x16: {  	s20 =	sadd.s32 $0x1, s20;
	s26 =	rddreg [dreg:$0x7]  }
0x17: {  	p0 =	sne.s32 s20, s26  }
.Ltmp1:
0x18: {  	_ = 	snop;
	(pc) =	sbr.rel @!p0 .LBB2_9-.Ltmp1, $3  }
0x19: {  	_ =	sdelay $0x1  }
0x1a: {  	[sflag:s19] =	ssyncset.done $0x0  }
0x1b: {  	[sflag:s19] =	ssyncadd.s32 $0xFFFFEC00  }
.LBB2_1:
0x1c: {  	s6 =	rddreg [dreg:$0x3]  }
0x1d: {  	[tilespmem:s2], [sflag:$0x7] =	stream.linear.gather [hbm4b:s6+s2], $0x2710, $0x38;
	[tilespmem:$0x11440] =	vst v63  }
0x1e: {  	_ =	swait.ge [sflag:s12], $0x2710  }
0x1f: {  	[sflag:s12] =	ssyncset.done $0x0  }
0x20: {  	s7 =	simm.s32 $0x2710;
	s8 =	rddreg [dreg:$0x4];
	[sflag:s12] =	ssyncadd.s32 $0xFFFFD8F0  }
0x21: {  	[tilespmem:s7], [sflag:$0x7] =	stream.linear.gather [hbm4b:s8+s2], $0x2710, $0x38;
	[tilespmem:$0x11440] =	vst v63  }
0x22: {  	_ =	swait.ge [sflag:s12], $0x2710  }
0x23: {  	[sflag:s12] =	ssyncset.done $0x0  }
0x24: {  	s8 =	simm.s32 $0x4E20;
	s9 =	rddreg [dreg:$0x5];
	[sflag:s12] =	ssyncadd.s32 $0xFFFFD8F0  }
0x25: {  	[tilespmem:s8], [sflag:$0x7] =	stream.linear.gather [hbm4b:s9+s2], $0x2710, $0x38;
	[tilespmem:$0x11440] =	vst v63  }
0x26: {  	_ =	swait.ge [sflag:s12], $0x2710  }
0x27: {  	[sflag:s12] =	ssyncset.done $0x0  }
0x28: {  	s9 =	simm.s32 $0x7530;
	s11 =	rddreg [dreg:$0x6];
	[sflag:s12] =	ssyncadd.s32 $0xFFFFD8F0  }
0x29: {  	[tilespmem:s9], [sflag:$0x7] =	stream.linear.gather [hbm4b:s11+s2], $0x2710, $0x38;
	[tilespmem:$0x11440] =	vst v63  }
0x2a: {  	_ =	swait.ge [sflag:s12], $0x2710  }
0x2b: {  	[sflag:s12] =	ssyncset.done $0x0  }
0x2c: {  	s13 =	simm.s32 $0x9C40;
	[sflag:s12] =	ssyncadd.s32 $0xFFFFD8F0  }
0x2d: {  	[tilespmem:s13], [sflag:$0x1] =	stream.indirect.gather [hbm4b:s4+s16], $0x40, s2, s16, $0xb8;
	[tilespmem:$0x11440] =	vst v63  }
0x2e: {  	s14 =	simm.s32 $0xA640  }
0x2f: {  	[tilespmem:s14], [sflag:$0x1] =	stream.indirect.gather [hbm4b:s4+s16], $0x40, s7, s16, $0xb8;
	[tilespmem:$0x11440] =	vst v63  }
0x30: {  	s15 =	simm.s32 $0xC440  }
0x31: {  	[tilespmem:s15], [sflag:$0x3] =	stream.indirect.gather [hbm4b:s4+s16], $0x40, s8, s16, $0xb8;
	[tilespmem:$0x11440] =	vst v63  }
0x32: {  	s18 =	simm.s32 $0xCE40  }
0x33: {  	[tilespmem:s18], [sflag:$0x3] =	stream.indirect.gather [hbm4b:s4+s16], $0x40, s9, s16, $0xb8;
	[tilespmem:$0x11440] =	vst v63  }
0x34: {  	_ = 	snop  }
0x35: {  	[tilespmem:s21], [sflag:$0x2] =	stream.indirect.gather [hbm4b:s4+s16], $0x40, s16, s16, $0xb8;
	[tilespmem:$0x11440] =	vst v63  }
0x36: {  	s22 =	simm.s32 $0x2738  }
0x37: {  	[tilespmem:s23], [sflag:$0x2] =	stream.indirect.gather [hbm4b:s4+s16], $0x40, s22, s16, $0xb8;
	[tilespmem:$0x11440] =	vst v63  }
0x38: {  	s24 =	simm.s32 $0x4E48  }
0x39: {  	[tilespmem:s25], [sflag:$0x4] =	stream.indirect.gather [hbm4b:s4+s16], $0x40, s24, s16, $0xb8;
	[tilespmem:$0x11440] =	vst v63  }
0x3a: {  	s26 =	simm.s32 $0x7558;
	s22 =	simm.s32 $0x0  }
0x3b: {  	[tilespmem:s28], [sflag:$0x4] =	stream.indirect.gather [hbm4b:s4+s16], $0x40, s26, s16, $0xb8;
	[tilespmem:$0x11440] =	vst v63  }
.LBB2_2:
0x3c: {  	_ =	swait.ge [sflag:s29], $0x1400  }
0x3d: {  	[sflag:s29] =	ssyncset.done $0x0  }
0x3e: {  	[sflag:s29] =	ssyncadd.s32 $0xFFFFEC00  }
0x3f: {  	_ =	swait.ge [sflag:s30], $0x1400  }
0x40: {  	p0 =	seq.s32 s22, $0x0;
	[sflag:s30] =	ssyncset.done $0x0  }
0x41: {  	s6 =	simm.s32 @!p0 $0x5;
	[sflag:s30] =	ssyncadd.s32 $0xFFFFEC00  }
0x42: {  	_ =	swait.ge @!p0 [sflag:s6], $0x1400  }
0x43: {  	[sflag:s6] =	ssyncset.done @!p0 $0x0  }
0x44: {  	s9 =	simm.s32 $0xA6B0;
	[sflag:s6] =	ssyncadd.s32 @!p0 $0xFFFFEC00  }
0x45: {  	s8 =	simm.s32 $0xCEB0;
	v1 =	vld [tilespmem:s9+$0xFFFFF5D0]  }
0x46: {  	v2 =	vld [tilespmem:s8+$0xFFFFF5D0];
	_ =	sdelay $0x4  }
0x47: {  	v1 =	vmul.bf16 v2, v1;
	_ =	sdelay $0x1  }
0x48: {  	s24 =	simm.s32 $0xECC0;
	v3 =	vld [tilespmem:s9+$0xFFFFF590];
	v1 =	vmax.bf16 v1, v0  }
0x49: {  	v2 =	vld [tilespmem:s8+$0xFFFFF590];
	[tilespmem:s24+$0x0] =	vst v1  }
0x4a: {  	v1 =	vld [tilespmem:s9+$0xFFFFF5E0]  }
0x4b: {  	v4 =	vld [tilespmem:s8+$0xFFFFF5E0];
	_ =	sdelay $0x2  }
0x4c: {  	v2 =	vmul.bf16 v2, v3;
	_ =	sdelay $0x1  }
0x4d: {  	v2 =	vmax.bf16 v2, v0;
	v1 =	vmul.bf16 v4, v1  }
0x4e: {  	[tilespmem:s24+$0xFFFFFF80] =	vst v2  }
0x4f: {  	v2 =	vld [tilespmem:s9+$0xFFFFF5A0];
	v1 =	vmax.bf16 v1, v0  }
0x50: {  	v3 =	vld [tilespmem:s8+$0xFFFFF5A0];
	[tilespmem:s24+$0x10] =	vst v1  }
0x51: {  	v1 =	vld [tilespmem:s9+$0xFFFFF5F0]  }
0x52: {  	v4 =	vld [tilespmem:s8+$0xFFFFF5F0];
	_ =	sdelay $0x2  }
0x53: {  	v2 =	vmul.bf16 v3, v2;
	_ =	sdelay $0x1  }
0x54: {  	v2 =	vmax.bf16 v2, v0;
	v1 =	vmul.bf16 v4, v1  }
0x55: {  	[tilespmem:s24+$0xFFFFFF90] =	vst v2  }
0x56: {  	v2 =	vld [tilespmem:s9+$0xFFFFF5B0];
	v1 =	vmax.bf16 v1, v0  }
0x57: {  	v3 =	vld [tilespmem:s8+$0xFFFFF5B0];
	[tilespmem:s24+$0x20] =	vst v1  }
0x58: {  	v1 =	vld [tilespmem:s9+$0xFFFFF600]  }
0x59: {  	s14 =	simm.s32 $0xA730;
	v4 =	vld [tilespmem:s8+$0xFFFFF600]  }
0x5a: {  	s13 =	simm.s32 $0xCF30;
	v5 =	vld [tilespmem:s14+$0xFFFFF5D0]  }
0x5b: {  	v6 =	vld [tilespmem:s13+$0xFFFFF5D0]  }
0x5c: {  	v2 =	vmul.bf16 v3, v2;
	_ =	sdelay $0x1  }
0x5d: {  	v3 =	vld [tilespmem:s13+$0xFFFFF590];
	v2 =	vmax.bf16 v2, v0;
	v1 =	vmul.bf16 v4, v1  }
0x5e: {  	[tilespmem:s24+$0xFFFFFFA0] =	vst v2;
	v2 =	vld [tilespmem:s14+$0xFFFFF590]  }
0x5f: {  	v5 =	vmul.bf16 v6, v5;
	v4 =	vld [tilespmem:s9+$0xFFFFF5C0];
	v1 =	vmax.bf16 v1, v0  }
0x60: {  	v6 =	vld [tilespmem:s8+$0xFFFFF5C0];
	[tilespmem:s24+$0x30] =	vst v1  }
0x61: {  	s26 =	simm.s32 $0xEDC0;
	v1 =	vmax.bf16 v5, v0;
	v5 =	vld [tilespmem:s9+$0xFFFFFFD0]  }
0x62: {  	[tilespmem:s26+$0x0] =	vst v1;
	v1 =	vld [tilespmem:s8+$0xFFFFFFD0]  }
0x63: {  	v2 =	vmul.bf16 v3, v2;
	v3 =	vld [tilespmem:s14+$0xFFFFF5E0]  }
0x64: {  	v7 =	vld [tilespmem:s13+$0xFFFFF5E0]  }
0x65: {  	v4 =	vmul.bf16 v6, v4;
	v2 =	vmax.bf16 v2, v0  }
0x66: {  	[tilespmem:s26+$0xFFFFFF80] =	vst v2  }
0x67: {  	v4 =	vmax.bf16 v4, v0;
	v2 =	vld [tilespmem:s14+$0xFFFFF5A0];
	v1 =	vmul.bf16 v1, v5  }
0x68: {  	[tilespmem:s24+$0xFFFFFFB0] =	vst v4;
	v5 =	vld [tilespmem:s13+$0xFFFFF5A0]  }
0x69: {  	v4 =	vld [tilespmem:s9+$0xFFFFFF90];
	v3 =	vmul.bf16 v7, v3;
	v1 =	vmax.bf16 v1, v0  }
0x6a: {  	v6 =	vld [tilespmem:s8+$0xFFFFFF90];
	[tilespmem:s24+$0x40] =	vst v1  }
0x6b: {  	v1 =	vmax.bf16 v3, v0;
	v3 =	vld [tilespmem:s9+$0xFFFFFFE0]  }
0x6c: {  	[tilespmem:s26+$0x10] =	vst v1;
	v1 =	vld [tilespmem:s8+$0xFFFFFFE0]  }
0x6d: {  	v2 =	vmul.bf16 v5, v2;
	v5 =	vld [tilespmem:s14+$0xFFFFF5F0]  }
0x6e: {  	v7 =	vld [tilespmem:s13+$0xFFFFF5F0];
	_ =	sdelay $0x1  }
0x6f: {  	s7 =	simm.s32 $0xCFB0;
	v4 =	vmul.bf16 v6, v4;
	v2 =	vmax.bf16 v2, v0  }
0x70: {  	v9 =	vld [tilespmem:s7+$0xFFFFF5D0];
	[tilespmem:s26+$0xFFFFFF90] =	vst v2;
	v1 =	vmul.bf16 v1, v3  }
0x71: {  	v4 =	vmax.bf16 v4, v0;
	v2 =	vld [tilespmem:s14+$0xFFFFF5B0]  }
0x72: {  	[tilespmem:s24+$0xFFFFFFC0] =	vst v4;
	v3 =	vld [tilespmem:s13+$0xFFFFF5B0];
	v5 =	vmul.bf16 v7, v5;
	v1 =	vmax.bf16 v1, v0  }
0x73: {  	v4 =	vld [tilespmem:s9+$0xFFFFFFA0];
	[tilespmem:s24+$0x50] =	vst v1  }
0x74: {  	v1 =	vmax.bf16 v5, v0;
	v5 =	vld [tilespmem:s9+$0xFFFFFFF0]  }
0x75: {  	[tilespmem:s26+$0x20] =	vst v1;
	v1 =	vld [tilespmem:s8+$0xFFFFFFF0]  }
0x76: {  	v7 =	vld [tilespmem:s14+$0xFFFFF600]  }
0x77: {  	v8 =	vld [tilespmem:s13+$0xFFFFF600];
	v2 =	vmul.bf16 v3, v2  }
0x78: {  	s15 =	simm.s32 $0xA7B0;
	v6 =	vld [tilespmem:s8+$0xFFFFFFA0]  }
0x79: {  	v3 =	vld [tilespmem:s15+$0xFFFFF5D0];
	v2 =	vmax.bf16 v2, v0  }
0x7a: {  	[tilespmem:s26+$0xFFFFFFA0] =	vst v2;
	v2 =	vld [tilespmem:s15+$0xFFFFF590];
	v1 =	vmul.bf16 v1, v5  }
0x7b: {  	v5 =	vld [tilespmem:s7+$0xFFFFF590]  }
0x7c: {  	v7 =	vmul.bf16 v8, v7;
	v8 =	vld [tilespmem:s14+$0xFFFFF5C0];
	v1 =	vmax.bf16 v1, v0  }
0x7d: {  	[tilespmem:s24+$0x60] =	vst v1;
	v1 =	vld [tilespmem:s13+$0xFFFFF5C0]  }
0x7e: {  	v3 =	vmul.bf16 v9, v3;
	v7 =	vmax.bf16 v7, v0;
	v63 =	vld [tilespmem:s9+$0x0]  }
0x7f: {  	[tilespmem:s26+$0x30] =	vst v7;
	v7 =	vld [tilespmem:s8+$0x0]  }
0x80: {  	s6 =	simm.s32 $0xEEC0;
	v3 =	vmax.bf16 v3, v0;
	v2 =	vmul.bf16 v5, v2;
	v5 =	vld [tilespmem:s14+$0xFFFFFFD0]  }
0x81: {  	[tilespmem:s6+$0x0] =	vst v3;
	v3 =	vld [tilespmem:s13+$0xFFFFFFD0]  }
0x82: {  	v2 =	vmax.bf16 v2, v0;
	v1 =	vmul.bf16 v1, v8;
	v8 =	vld [tilespmem:s15+$0xFFFFF5E0]  }
0x83: {  	[tilespmem:s6+$0xFFFFFF80] =	vst v2;
	v2 =	vld [tilespmem:s7+$0xFFFFF5E0]  }
0x84: {  	v4 =	vmul.bf16 v6, v4;
	v6 =	vld [tilespmem:s15+$0xFFFFF5A0];
	v1 =	vmax.bf16 v1, v0  }
0x85: {  	[tilespmem:s26+$0xFFFFFFB0] =	vst v1;
	v1 =	vld [tilespmem:s7+$0xFFFFF5A0]  }
0x86: {  	v4 =	vmax.bf16 v4, v0;
	v3 =	vmul.bf16 v3, v5;
	v5 =	vld [tilespmem:s14+$0xFFFFFF90]  }
0x87: {  	[tilespmem:s24+$0xFFFFFFD0] =	vst v4;
	v4 =	vld [tilespmem:s13+$0xFFFFFF90]  }
0x88: {  	v3 =	vmax.bf16 v3, v0;
	v2 =	vmul.bf16 v2, v8;
	v8 =	vld [tilespmem:s9+$0xFFFFFFB0]  }
0x89: {  	[tilespmem:s26+$0x40] =	vst v3;
	v3 =	vld [tilespmem:s8+$0xFFFFFFB0]  }
0x8a: {  	v2 =	vmax.bf16 v2, v0;
	v1 =	vmul.bf16 v1, v6;
	v6 =	vld [tilespmem:s14+$0xFFFFFFE0]  }
0x8b: {  	[tilespmem:s6+$0x10] =	vst v2;
	v2 =	vld [tilespmem:s13+$0xFFFFFFE0]  }
0x8c: {  	v4 =	vmul.bf16 v4, v5;
	v5 =	vld [tilespmem:s15+$0xFFFFF5F0];
	v1 =	vmax.bf16 v1, v0  }
0x8d: {  	[tilespmem:s6+$0xFFFFFF90] =	vst v1;
	v1 =	vld [tilespmem:s7+$0xFFFFF5F0]  }
0x8e: {  	v3 =	vmul.bf16 v3, v8;
	v4 =	vmax.bf16 v4, v0;
	v8 =	vld [tilespmem:s15+$0xFFFFF5B0]  }
0x8f: {  	[tilespmem:s26+$0xFFFFFFC0] =	vst v4;
	v4 =	vld [tilespmem:s7+$0xFFFFF5B0]  }
0x90: {  	v3 =	vmax.bf16 v3, v0;
	v2 =	vmul.bf16 v2, v6;
	v10 =	vld [tilespmem:s14+$0xFFFFFFA0]  }
0x91: {  	[tilespmem:s24+$0xFFFFFFE0] =	vst v3;
	v11 =	vld [tilespmem:s13+$0xFFFFFFA0]  }
0x92: {  	v2 =	vmax.bf16 v2, v0;
	v3 =	vmul.bf16 v1, v5;
	v1 =	vld [tilespmem:s9+$0xFFFFFFC0]  }
0x93: {  	v5 =	vmul.bf16 v7, v63;
	[tilespmem:s26+$0x50] =	vst v2;
	v2 =	vld [tilespmem:s8+$0xFFFFFFC0]  }
0x94: {  	v6 =	vmul.bf16 v4, v8;
	v4 =	vmax.bf16 v3, v0;
	v3 =	vld [tilespmem:s14+$0xFFFFFFF0]  }
0x95: {  	v5 =	vmax.bf16 v5, v0;
	[tilespmem:s6+$0x20] =	vst v4;
	v4 =	vld [tilespmem:s13+$0xFFFFFFF0]  }
0x96: {  	[tilespmem:s24+$0x70] =	vst v5;
	v7 =	vmax.bf16 v6, v0;
	v5 =	vmul.bf16 v11, v10;
	v6 =	vld [tilespmem:s15+$0xFFFFF600]  }
0x97: {  	s11 =	simm.s32 $0xA830;
	s9 =	simm.s32 $0x4;
	s8 =	simm.s32 $0xCFB0;
	[tilespmem:s6+$0xFFFFFFA0] =	vst v7;
	v7 =	vld [tilespmem:s7+$0xFFFFF600]  }
.LBB2_3:
0x98: {  	v8 =	vld [tilespmem:s11+$0xFFFFF5D0];
	s7 =	sadd.s32 $0x80, s7;
	v5 =	vmax.bf16 v5, v0;
	v1 =	vmul.bf16 v2, v1  }
0x99: {  	v2 =	vld [tilespmem:s7+$0xFFFFF5D0];
	[tilespmem:s26+$0xFFFFFFD0] =	vst v5  }
0x9a: {  	v5 =	vld [tilespmem:s7+$0xFFFFF590];
	v3 =	vmul.bf16 v4, v3;
	v1 =	vmax.bf16 v1, v0  }
0x9b: {  	v4 =	vld [tilespmem:s11+$0xFFFFF590];
	[tilespmem:s24+$0xFFFFFFF0] =	vst v1;
	s24 =	smov.u32 s26;
	s26 =	smov.u32 s6  }
0x9c: {  	v1 =	vld [tilespmem:s15+$0xFFFFF5C0];
	v6 =	vmul.bf16 v7, v6;
	v3 =	vmax.bf16 v3, v0  }
0x9d: {  	v7 =	vld [tilespmem:s8+$0xFFFFF5C0];
	[tilespmem:s24+$0x60] =	vst v3  }
0x9e: {  	v2 =	vmul.bf16 v2, v8;
	v3 =	vmax.bf16 v6, v0;
	v6 =	vld [tilespmem:s14+$0x0]  }
0x9f: {  	[tilespmem:s6+$0x30] =	vst v3;
	v3 =	vld [tilespmem:s13+$0x0]  }
0xa0: {  	s9 =	sadd.s32 $0x2, s9;
	s6 =	sadd.s32 $0x100, s6;
	v4 =	vmul.bf16 v5, v4;
	v2 =	vmax.bf16 v2, v0;
	v5 =	vld [tilespmem:s15+$0xFFFFFFD0]  }
0xa1: {  	p1 =	slt.u32 s9, $0x26;
	[tilespmem:s6+$0x0] =	vst v2;
	v2 =	vld [tilespmem:s8+$0xFFFFFFD0]  }
0xa2: {  	v4 =	vmax.bf16 v4, v0;
	v8 =	vld [tilespmem:s11+$0xFFFFF5E0];
	v1 =	vmul.bf16 v7, v1  }
0xa3: {  	[tilespmem:s6+$0xFFFFFF80] =	vst v4;
	v4 =	vld [tilespmem:s7+$0xFFFFF5E0]  }
0xa4: {  	v7 =	vld [tilespmem:s11+$0xFFFFF5A0];
	v1 =	vmax.bf16 v1, v0;
	v3 =	vmul.bf16 v3, v6  }
0xa5: {  	v6 =	vld [tilespmem:s7+$0xFFFFF5A0];
	[tilespmem:s26+$0xFFFFFFB0] =	vst v1  }
0xa6: {  	v1 =	vld [tilespmem:s15+$0xFFFFFF90];
	v2 =	vmul.bf16 v2, v5;
	v3 =	vmax.bf16 v3, v0  }
0xa7: {  	v5 =	vld [tilespmem:s8+$0xFFFFFF90];
	[tilespmem:s24+$0x70] =	vst v3  }
0xa8: {  	v3 =	vmul.bf16 v4, v8;
	v2 =	vmax.bf16 v2, v0;
	v4 =	vld [tilespmem:s14+$0xFFFFFFB0]  }
0xa9: {  	[tilespmem:s26+$0x40] =	vst v2;
	v2 =	vld [tilespmem:s13+$0xFFFFFFB0]  }
0xaa: {  	v6 =	vmul.bf16 v6, v7;
	v3 =	vmax.bf16 v3, v0;
	v7 =	vld [tilespmem:s15+$0xFFFFFFE0]  }
0xab: {  	[tilespmem:s6+$0x10] =	vst v3;
	v3 =	vld [tilespmem:s8+$0xFFFFFFE0]  }
0xac: {  	v6 =	vmax.bf16 v6, v0;
	v8 =	vld [tilespmem:s11+$0xFFFFF5F0];
	v1 =	vmul.bf16 v5, v1  }
0xad: {  	[tilespmem:s6+$0xFFFFFF90] =	vst v6;
	v5 =	vld [tilespmem:s7+$0xFFFFF5F0]  }
0xae: {  	v6 =	vld [tilespmem:s11+$0xFFFFF5B0];
	v1 =	vmax.bf16 v1, v0;
	v2 =	vmul.bf16 v2, v4  }
0xaf: {  	v4 =	vld [tilespmem:s7+$0xFFFFF5B0];
	[tilespmem:s26+$0xFFFFFFC0] =	vst v1  }
0xb0: {  	v9 =	vld [tilespmem:s15+$0xFFFFFFA0];
	v1 =	vmul.bf16 v3, v7;
	v2 =	vmax.bf16 v2, v0  }
0xb1: {  	v7 =	vld [tilespmem:s8+$0xFFFFFFA0];
	[tilespmem:s24+$0xFFFFFFE0] =	vst v2  }
0xb2: {  	v3 =	vmul.bf16 v5, v8;
	v2 =	vmax.bf16 v1, v0;
	v1 =	vld [tilespmem:s14+$0xFFFFFFC0];
	s14 =	smov.u32 s15;
	s15 =	smov.u32 s11  }
.Ltmp2:
0xb3: {  	[tilespmem:s26+$0x50] =	vst v2;
	v2 =	vld [tilespmem:s13+$0xFFFFFFC0];
	s13 =	smov.u32 s8;
	s8 =	smov.u32 s7;
	(pc) =	sbr.rel @p1 .LBB2_3-.Ltmp2, $4  }
0xb4: {  	v5 =	vmul.bf16 v4, v6;
	v4 =	vmax.bf16 v3, v0;
	v3 =	vld [tilespmem:s14+$0xFFFFFFF0]  }
0xb5: {  	[tilespmem:s6+$0x20] =	vst v4;
	v4 =	vld [tilespmem:s13+$0xFFFFFFF0]  }
0xb6: {  	v8 =	vmax.bf16 v5, v0;
	v6 =	vld [tilespmem:s11+$0xFFFFF600];
	v5 =	vmul.bf16 v7, v9  }
0xb7: {  	s11 =	sadd.s32 $0x80, s11;
	[tilespmem:s6+$0xFFFFFFA0] =	vst v8;
	v7 =	vld [tilespmem:s7+$0xFFFFF600]  }
0xb8: {  	v8 =	vld [tilespmem:s15+$0xFFFFF5C0]  }
0xb9: {  	v9 =	vld [tilespmem:s8+$0xFFFFF5C0];
	_ =	sdelay $0x2  }
0xba: {  	v6 =	vmul.bf16 v7, v6;
	_ =	sdelay $0x1  }
0xbb: {  	v7 =	vmul.bf16 v9, v8;
	v6 =	vmax.bf16 v6, v0  }
0xbc: {  	[tilespmem:s6+$0x30] =	vst v6  }
0xbd: {  	v7 =	vmax.bf16 v7, v0;
	v6 =	vld [tilespmem:s15+$0xFFFFFFD0]  }
0xbe: {  	v8 =	vld [tilespmem:s8+$0xFFFFFFD0];
	[tilespmem:s6+$0xFFFFFFB0] =	vst v7  }
0xbf: {  	v7 =	vld [tilespmem:s15+$0xFFFFFF90]  }
0xc0: {  	v57 =	vld [tilespmem:s8+$0xFFFFFF90];
	_ =	sdelay $0x2  }
0xc1: {  	v6 =	vmul.bf16 v8, v6;
	_ =	sdelay $0x1  }
0xc2: {  	v7 =	vmul.bf16 v57, v7;
	v6 =	vmax.bf16 v6, v0  }
0xc3: {  	[tilespmem:s6+$0x40] =	vst v6  }
0xc4: {  	v7 =	vmax.bf16 v7, v0;
	v6 =	vld [tilespmem:s15+$0xFFFFFFE0]  }
0xc5: {  	v8 =	vld [tilespmem:s8+$0xFFFFFFE0];
	[tilespmem:s6+$0xFFFFFFC0] =	vst v7  }
0xc6: {  	v7 =	vld [tilespmem:s15+$0xFFFFFFA0]  }
0xc7: {  	v58 =	vld [tilespmem:s8+$0xFFFFFFA0];
	_ =	sdelay $0x2  }
0xc8: {  	v5 =	vmax.bf16 v5, v0;
	v6 =	vmul.bf16 v8, v6  }
0xc9: {  	[tilespmem:s26+$0xFFFFFFD0] =	vst v5  }
0xca: {  	v5 =	vld [tilespmem:s14+$0xFFFFFFB0];
	v7 =	vmul.bf16 v58, v7;
	v6 =	vmax.bf16 v6, v0  }
0xcb: {  	v8 =	vld [tilespmem:s13+$0xFFFFFFB0];
	[tilespmem:s6+$0x50] =	vst v6  }
0xcc: {  	v7 =	vmax.bf16 v7, v0;
	v6 =	vld [tilespmem:s15+$0xFFFFFFF0]  }
0xcd: {  	v59 =	vld [tilespmem:s8+$0xFFFFFFF0];
	[tilespmem:s6+$0xFFFFFFD0] =	vst v7  }
0xce: {  	v3 =	vmul.bf16 v4, v3;
	v4 =	vld [tilespmem:s15+$0xFFFFFFB0]  }
0xcf: {  	v7 =	vld [tilespmem:s8+$0xFFFFFFB0]  }
0xd0: {  	v3 =	vmax.bf16 v3, v0;
	v5 =	vmul.bf16 v8, v5  }
0xd1: {  	[tilespmem:s26+$0x60] =	vst v3  }
0xd2: {  	v3 =	vld [tilespmem:s14+$0x0];
	v5 =	vmax.bf16 v5, v0;
	v6 =	vmul.bf16 v59, v6  }
0xd3: {  	v8 =	vld [tilespmem:s13+$0x0];
	[tilespmem:s26+$0xFFFFFFE0] =	vst v5  }
0xd4: {  	v5 =	vld [tilespmem:s14+$0xFFFFFFC0];
	v4 =	vmul.bf16 v7, v4;
	v6 =	vmax.bf16 v6, v0  }
0xd5: {  	v7 =	vld [tilespmem:s13+$0xFFFFFFC0];
	[tilespmem:s6+$0x60] =	vst v6  }
0xd6: {  	v4 =	vmax.bf16 v4, v0;
	v6 =	vld [tilespmem:s15+$0x0]  }
0xd7: {  	v60 =	vld [tilespmem:s8+$0x0];
	[tilespmem:s6+$0xFFFFFFE0] =	vst v4  }
0xd8: {  	v4 =	vld [tilespmem:s15+$0xFFFFFFC0]  }
0xd9: {  	v10 =	vld [tilespmem:s8+$0xFFFFFFC0]  }
0xda: {  	v1 =	vmul.bf16 v2, v1  }
0xdb: {  	v2 =	vmul.bf16 v8, v3  }
0xdc: {  	v1 =	vmax.bf16 v1, v0;
	v3 =	vmul.bf16 v7, v5  }
0xdd: {  	[tilespmem:s24+$0xFFFFFFF0] =	vst v1;
	s24 =	smul.u32 $0x50, s22;
	v1 =	vmax.bf16 v2, v0;
	v2 =	vmul.bf16 v60, v6  }
0xde: {  	[tilespmem:s26+$0x70] =	vst v1;
	v1 =	vmax.bf16 v3, v0;
	v3 =	vmul.bf16 v10, v4  }
0xdf: {  	s7 =	sadd.s32 s3, s24;
	[tilespmem:s26+$0xFFFFFFF0] =	vst v1;
	v1 =	vmax.bf16 v2, v0  }
0xe0: {  	s7 =	sshll.u32 s7, $0x4;
	[tilespmem:s6+$0x70] =	vst v1;
	v1 =	vmax.bf16 v3, v0  }
0xe1: {  	p1 =	seq.s32 s22, $0x7C;
	s26 =	sadd.s32 s5, s7;
	[tilespmem:s6+$0xFFFFFFF0] =	vst v1  }
0xe2: {  	[hbm4b:s26+s2] =	stream.linear.scatter [tilespmem:s31], [sflag:$0x5], $0x1400, $0x38;
	[tilespmem:$0x11440] =	vst v63  }
0xe3: {  	s8 =	simm.s32 @!p1 $0x9C40;
	s7 =	simm.s32 @!p1 $0x28;
	s6 =	sadd.s32 @!p1 $0x50, s24  }
0xe4: {  	[tilespmem:s8], [sflag:$0x1] =	stream.indirect.gather @!p1 [hbm4b:s4+s7], $0x40, s6, s7, $0xb8;
	[tilespmem:$0x11440] =	vst v63  }
0xe5: {  	s6 =	sadd.s32 @!p1 $0x2760, s24;
	s8 =	simm.s32 @!p1 $0xA640  }
0xe6: {  	[tilespmem:s8], [sflag:$0x1] =	stream.indirect.gather @!p1 [hbm4b:s4+s7], $0x40, s6, s7, $0xb8;
	[tilespmem:$0x11440] =	vst v63  }
0xe7: {  	s6 =	sadd.s32 @!p1 $0x4E70, s24;
	s8 =	simm.s32 @!p1 $0xC440  }
0xe8: {  	[tilespmem:s8], [sflag:$0x3] =	stream.indirect.gather @!p1 [hbm4b:s4+s7], $0x40, s6, s7, $0xb8;
	[tilespmem:$0x11440] =	vst v63  }
0xe9: {  	s6 =	sadd.s32 @!p1 $0x7580, s24;
	s8 =	simm.s32 @!p1 $0xCE40  }
0xea: {  	[tilespmem:s8], [sflag:$0x3] =	stream.indirect.gather @!p1 [hbm4b:s4+s7], $0x40, s6, s7, $0xb8;
	[tilespmem:$0x11440] =	vst v63  }
0xeb: {  	_ =	swait.ge [sflag:s0], $0x1400  }
0xec: {  	[sflag:s0] =	ssyncset.done $0x0  }
0xed: {  	[sflag:s0] =	ssyncadd.s32 $0xFFFFEC00  }
0xee: {  	_ =	swait.ge [sflag:s1], $0x1400  }
0xef: {  	[sflag:s1] =	ssyncset.done $0x0  }
0xf0: {  	s6 =	simm.s32 @!p0 $0x6;
	[sflag:s1] =	ssyncadd.s32 $0xFFFFEC00  }
0xf1: {  	_ =	swait.ge @!p0 [sflag:s6], $0x1400  }
0xf2: {  	[sflag:s6] =	ssyncset.done @!p0 $0x0  }
0xf3: {  	s11 =	simm.s32 $0xBAB0;
	[sflag:s6] =	ssyncadd.s32 @!p0 $0xFFFFEC00  }
0xf4: {  	s9 =	simm.s32 $0xE2B0;
	v1 =	vld [tilespmem:s11+$0xFFFFF5D0]  }
0xf5: {  	v2 =	vld [tilespmem:s9+$0xFFFFF5D0];
	_ =	sdelay $0x4  }
0xf6: {  	v1 =	vmul.bf16 v2, v1;
	_ =	sdelay $0x1  }
0xf7: {  	s26 =	simm.s32 $0x10130;
	v3 =	vld [tilespmem:s11+$0xFFFFF590];
	v1 =	vmax.bf16 v1, v0  }
0xf8: {  	v2 =	vld [tilespmem:s9+$0xFFFFF590];
	[tilespmem:s26+$0xFFFFFF90] =	vst v1  }
0xf9: {  	v1 =	vld [tilespmem:s11+$0xFFFFF5E0]  }
0xfa: {  	v4 =	vld [tilespmem:s9+$0xFFFFF5E0];
	_ =	sdelay $0x2  }
0xfb: {  	v2 =	vmul.bf16 v2, v3;
	_ =	sdelay $0x1  }
0xfc: {  	v2 =	vmax.bf16 v2, v0;
	v1 =	vmul.bf16 v4, v1  }
0xfd: {  	[tilespmem:s26+$0xFFFFFF10] =	vst v2  }
0xfe: {  	v2 =	vld [tilespmem:s11+$0xFFFFF5A0];
	v1 =	vmax.bf16 v1, v0  }
0xff: {  	v3 =	vld [tilespmem:s9+$0xFFFFF5A0];
	[tilespmem:s26+$0xFFFFFFA0] =	vst v1  }
0x100: {  	v1 =	vld [tilespmem:s11+$0xFFFFF5F0]  }
0x101: {  	v4 =	vld [tilespmem:s9+$0xFFFFF5F0];
	_ =	sdelay $0x2  }
0x102: {  	v2 =	vmul.bf16 v3, v2;
	_ =	sdelay $0x1  }
0x103: {  	v2 =	vmax.bf16 v2, v0;
	v1 =	vmul.bf16 v4, v1  }
0x104: {  	[tilespmem:s26+$0xFFFFFF20] =	vst v2  }
0x105: {  	v2 =	vld [tilespmem:s11+$0xFFFFF5B0];
	v1 =	vmax.bf16 v1, v0  }
0x106: {  	v3 =	vld [tilespmem:s9+$0xFFFFF5B0];
	[tilespmem:s26+$0xFFFFFFB0] =	vst v1  }
0x107: {  	v1 =	vld [tilespmem:s11+$0xFFFFF600]  }
0x108: {  	s15 =	simm.s32 $0xBB30;
	v4 =	vld [tilespmem:s9+$0xFFFFF600]  }
0x109: {  	s14 =	simm.s32 $0xE330;
	v5 =	vld [tilespmem:s15+$0xFFFFF5D0]  }
0x10a: {  	v6 =	vld [tilespmem:s14+$0xFFFFF5D0]  }
0x10b: {  	v2 =	vmul.bf16 v3, v2;
	_ =	sdelay $0x1  }
0x10c: {  	v3 =	vld [tilespmem:s14+$0xFFFFF590];
	v2 =	vmax.bf16 v2, v0;
	v1 =	vmul.bf16 v4, v1  }
0x10d: {  	[tilespmem:s26+$0xFFFFFF30] =	vst v2;
	v2 =	vld [tilespmem:s15+$0xFFFFF590]  }
0x10e: {  	v5 =	vmul.bf16 v6, v5;
	v4 =	vld [tilespmem:s11+$0xFFFFF5C0];
	v1 =	vmax.bf16 v1, v0  }
0x10f: {  	v6 =	vld [tilespmem:s9+$0xFFFFF5C0];
	[tilespmem:s26+$0xFFFFFFC0] =	vst v1  }
0x110: {  	s13 =	simm.s32 $0x10230;
	v1 =	vmax.bf16 v5, v0;
	v5 =	vld [tilespmem:s11+$0xFFFFFFD0]  }
0x111: {  	[tilespmem:s13+$0xFFFFFF90] =	vst v1;
	v1 =	vld [tilespmem:s9+$0xFFFFFFD0]  }
0x112: {  	v2 =	vmul.bf16 v3, v2;
	v3 =	vld [tilespmem:s15+$0xFFFFF5E0]  }
0x113: {  	v7 =	vld [tilespmem:s14+$0xFFFFF5E0]  }
0x114: {  	v4 =	vmul.bf16 v6, v4;
	v2 =	vmax.bf16 v2, v0  }
0x115: {  	[tilespmem:s13+$0xFFFFFF10] =	vst v2  }
0x116: {  	v4 =	vmax.bf16 v4, v0;
	v2 =	vld [tilespmem:s15+$0xFFFFF5A0];
	v1 =	vmul.bf16 v1, v5  }
0x117: {  	[tilespmem:s26+$0xFFFFFF40] =	vst v4;
	v5 =	vld [tilespmem:s14+$0xFFFFF5A0]  }
0x118: {  	v4 =	vld [tilespmem:s11+$0xFFFFFF90];
	v3 =	vmul.bf16 v7, v3;
	v1 =	vmax.bf16 v1, v0  }
0x119: {  	v6 =	vld [tilespmem:s9+$0xFFFFFF90];
	[tilespmem:s26+$0xFFFFFFD0] =	vst v1  }
0x11a: {  	v1 =	vmax.bf16 v3, v0;
	v3 =	vld [tilespmem:s11+$0xFFFFFFE0]  }
0x11b: {  	[tilespmem:s13+$0xFFFFFFA0] =	vst v1;
	v1 =	vld [tilespmem:s9+$0xFFFFFFE0]  }
0x11c: {  	v2 =	vmul.bf16 v5, v2;
	v5 =	vld [tilespmem:s15+$0xFFFFF5F0]  }
0x11d: {  	v7 =	vld [tilespmem:s14+$0xFFFFF5F0];
	_ =	sdelay $0x1  }
0x11e: {  	s8 =	simm.s32 $0xE3B0;
	v4 =	vmul.bf16 v6, v4;
	v2 =	vmax.bf16 v2, v0  }
0x11f: {  	v61 =	vld [tilespmem:s8+$0xFFFFF5D0];
	[tilespmem:s13+$0xFFFFFF20] =	vst v2;
	v1 =	vmul.bf16 v1, v3  }
0x120: {  	v4 =	vmax.bf16 v4, v0;
	v2 =	vld [tilespmem:s15+$0xFFFFF5B0]  }
0x121: {  	[tilespmem:s26+$0xFFFFFF50] =	vst v4;
	v3 =	vld [tilespmem:s14+$0xFFFFF5B0];
	v5 =	vmul.bf16 v7, v5;
	v1 =	vmax.bf16 v1, v0  }
0x122: {  	v4 =	vld [tilespmem:s11+$0xFFFFFFA0];
	[tilespmem:s26+$0xFFFFFFE0] =	vst v1  }
0x123: {  	v1 =	vmax.bf16 v5, v0;
	v5 =	vld [tilespmem:s11+$0xFFFFFFF0]  }
0x124: {  	[tilespmem:s13+$0xFFFFFFB0] =	vst v1;
	v1 =	vld [tilespmem:s9+$0xFFFFFFF0]  }
0x125: {  	v7 =	vld [tilespmem:s15+$0xFFFFF600]  }
0x126: {  	v8 =	vld [tilespmem:s14+$0xFFFFF600];
	v2 =	vmul.bf16 v3, v2  }
0x127: {  	s6 =	simm.s32 $0xBBB0;
	v6 =	vld [tilespmem:s9+$0xFFFFFFA0]  }
0x128: {  	v3 =	vld [tilespmem:s6+$0xFFFFF5D0];
	v2 =	vmax.bf16 v2, v0  }
0x129: {  	[tilespmem:s13+$0xFFFFFF30] =	vst v2;
	v2 =	vld [tilespmem:s6+$0xFFFFF590];
	v1 =	vmul.bf16 v1, v5  }
0x12a: {  	v5 =	vld [tilespmem:s8+$0xFFFFF590]  }
0x12b: {  	v7 =	vmul.bf16 v8, v7;
	v8 =	vld [tilespmem:s15+$0xFFFFF5C0];
	v1 =	vmax.bf16 v1, v0  }
0x12c: {  	[tilespmem:s26+$0xFFFFFFF0] =	vst v1;
	v1 =	vld [tilespmem:s14+$0xFFFFF5C0]  }
0x12d: {  	v3 =	vmul.bf16 v61, v3;
	v7 =	vmax.bf16 v7, v0;
	v62 =	vld [tilespmem:s11+$0x0]  }
0x12e: {  	[tilespmem:s13+$0xFFFFFFC0] =	vst v7;
	v7 =	vld [tilespmem:s9+$0x0]  }
0x12f: {  	s7 =	simm.s32 $0x10330;
	v3 =	vmax.bf16 v3, v0;
	v2 =	vmul.bf16 v5, v2;
	v5 =	vld [tilespmem:s15+$0xFFFFFFD0]  }
0x130: {  	[tilespmem:s7+$0xFFFFFF90] =	vst v3;
	v3 =	vld [tilespmem:s14+$0xFFFFFFD0]  }
0x131: {  	v2 =	vmax.bf16 v2, v0;
	v1 =	vmul.bf16 v1, v8;
	v8 =	vld [tilespmem:s6+$0xFFFFF5E0]  }
0x132: {  	[tilespmem:s7+$0xFFFFFF10] =	vst v2;
	v2 =	vld [tilespmem:s8+$0xFFFFF5E0]  }
0x133: {  	v4 =	vmul.bf16 v6, v4;
	v6 =	vld [tilespmem:s6+$0xFFFFF5A0];
	v1 =	vmax.bf16 v1, v0  }
0x134: {  	[tilespmem:s13+$0xFFFFFF40] =	vst v1;
	v1 =	vld [tilespmem:s8+$0xFFFFF5A0]  }
0x135: {  	v4 =	vmax.bf16 v4, v0;
	v3 =	vmul.bf16 v3, v5;
	v5 =	vld [tilespmem:s15+$0xFFFFFF90]  }
0x136: {  	[tilespmem:s26+$0xFFFFFF60] =	vst v4;
	v4 =	vld [tilespmem:s14+$0xFFFFFF90]  }
0x137: {  	v3 =	vmax.bf16 v3, v0;
	v2 =	vmul.bf16 v2, v8;
	v8 =	vld [tilespmem:s11+$0xFFFFFFB0]  }
0x138: {  	[tilespmem:s13+$0xFFFFFFD0] =	vst v3;
	v3 =	vld [tilespmem:s9+$0xFFFFFFB0]  }
0x139: {  	v2 =	vmax.bf16 v2, v0;
	v1 =	vmul.bf16 v1, v6;
	v6 =	vld [tilespmem:s15+$0xFFFFFFE0]  }
0x13a: {  	[tilespmem:s7+$0xFFFFFFA0] =	vst v2;
	v2 =	vld [tilespmem:s14+$0xFFFFFFE0]  }
0x13b: {  	v4 =	vmul.bf16 v4, v5;
	v5 =	vld [tilespmem:s6+$0xFFFFF5F0];
	v1 =	vmax.bf16 v1, v0  }
0x13c: {  	[tilespmem:s7+$0xFFFFFF20] =	vst v1;
	v1 =	vld [tilespmem:s8+$0xFFFFF5F0]  }
0x13d: {  	v3 =	vmul.bf16 v3, v8;
	v4 =	vmax.bf16 v4, v0;
	v8 =	vld [tilespmem:s6+$0xFFFFF5B0]  }
0x13e: {  	[tilespmem:s13+$0xFFFFFF50] =	vst v4;
	v4 =	vld [tilespmem:s8+$0xFFFFF5B0]  }
0x13f: {  	v3 =	vmax.bf16 v3, v0;
	v2 =	vmul.bf16 v2, v6;
	v63 =	vld [tilespmem:s15+$0xFFFFFFA0]  }
0x140: {  	[tilespmem:s26+$0xFFFFFF70] =	vst v3;
	v11 =	vld [tilespmem:s14+$0xFFFFFFA0]  }
0x141: {  	v2 =	vmax.bf16 v2, v0;
	v3 =	vmul.bf16 v1, v5;
	v1 =	vld [tilespmem:s11+$0xFFFFFFC0]  }
0x142: {  	v5 =	vmul.bf16 v7, v62;
	[tilespmem:s13+$0xFFFFFFE0] =	vst v2;
	v2 =	vld [tilespmem:s9+$0xFFFFFFC0]  }
0x143: {  	v6 =	vmul.bf16 v4, v8;
	v4 =	vmax.bf16 v3, v0;
	v3 =	vld [tilespmem:s15+$0xFFFFFFF0]  }
0x144: {  	v5 =	vmax.bf16 v5, v0;
	[tilespmem:s7+$0xFFFFFFB0] =	vst v4;
	v4 =	vld [tilespmem:s14+$0xFFFFFFF0]  }
0x145: {  	[tilespmem:s26+$0x0] =	vst v5;
	v7 =	vmax.bf16 v6, v0;
	v5 =	vmul.bf16 v11, v63;
	v6 =	vld [tilespmem:s6+$0xFFFFF600]  }
0x146: {  	s18 =	simm.s32 $0xBC30;
	s11 =	simm.s32 $0x4;
	s9 =	simm.s32 $0xE3B0;
	[tilespmem:s7+$0xFFFFFF30] =	vst v7;
	v7 =	vld [tilespmem:s8+$0xFFFFF600]  }
.LBB2_5:
0x147: {  	v8 =	vld [tilespmem:s18+$0xFFFFF5D0];
	s8 =	sadd.s32 $0x80, s8;
	v5 =	vmax.bf16 v5, v0;
	v1 =	vmul.bf16 v2, v1  }
0x148: {  	v2 =	vld [tilespmem:s8+$0xFFFFF5D0];
	[tilespmem:s13+$0xFFFFFF60] =	vst v5  }
0x149: {  	v5 =	vld [tilespmem:s8+$0xFFFFF590];
	v3 =	vmul.bf16 v4, v3;
	v1 =	vmax.bf16 v1, v0  }
0x14a: {  	v4 =	vld [tilespmem:s18+$0xFFFFF590];
	[tilespmem:s26+$0xFFFFFF80] =	vst v1;
	s26 =	smov.u32 s13;
	s13 =	smov.u32 s7  }
0x14b: {  	v1 =	vld [tilespmem:s6+$0xFFFFF5C0];
	v6 =	vmul.bf16 v7, v6;
	v3 =	vmax.bf16 v3, v0  }
0x14c: {  	v7 =	vld [tilespmem:s9+$0xFFFFF5C0];
	[tilespmem:s26+$0xFFFFFFF0] =	vst v3  }
0x14d: {  	v2 =	vmul.bf16 v2, v8;
	v3 =	vmax.bf16 v6, v0;
	v6 =	vld [tilespmem:s15+$0x0]  }
0x14e: {  	[tilespmem:s7+$0xFFFFFFC0] =	vst v3;
	v3 =	vld [tilespmem:s14+$0x0]  }
0x14f: {  	s11 =	sadd.s32 $0x2, s11;
	s7 =	sadd.s32 $0x100, s7;
	v4 =	vmul.bf16 v5, v4;
	v2 =	vmax.bf16 v2, v0;
	v5 =	vld [tilespmem:s6+$0xFFFFFFD0]  }
0x150: {  	p0 =	slt.u32 s11, $0x26;
	[tilespmem:s7+$0xFFFFFF90] =	vst v2;
	v2 =	vld [tilespmem:s9+$0xFFFFFFD0]  }
0x151: {  	v4 =	vmax.bf16 v4, v0;
	v8 =	vld [tilespmem:s18+$0xFFFFF5E0];
	v1 =	vmul.bf16 v7, v1  }
0x152: {  	[tilespmem:s7+$0xFFFFFF10] =	vst v4;
	v4 =	vld [tilespmem:s8+$0xFFFFF5E0]  }
0x153: {  	v7 =	vld [tilespmem:s18+$0xFFFFF5A0];
	v1 =	vmax.bf16 v1, v0;
	v3 =	vmul.bf16 v3, v6  }
0x154: {  	v6 =	vld [tilespmem:s8+$0xFFFFF5A0];
	[tilespmem:s13+$0xFFFFFF40] =	vst v1  }
0x155: {  	v1 =	vld [tilespmem:s6+$0xFFFFFF90];
	v2 =	vmul.bf16 v2, v5;
	v3 =	vmax.bf16 v3, v0  }
0x156: {  	v5 =	vld [tilespmem:s9+$0xFFFFFF90];
	[tilespmem:s26+$0x0] =	vst v3  }
0x157: {  	v3 =	vmul.bf16 v4, v8;
	v2 =	vmax.bf16 v2, v0;
	v4 =	vld [tilespmem:s15+$0xFFFFFFB0]  }
0x158: {  	[tilespmem:s13+$0xFFFFFFD0] =	vst v2;
	v2 =	vld [tilespmem:s14+$0xFFFFFFB0]  }
0x159: {  	v6 =	vmul.bf16 v6, v7;
	v3 =	vmax.bf16 v3, v0;
	v7 =	vld [tilespmem:s6+$0xFFFFFFE0]  }
0x15a: {  	[tilespmem:s7+$0xFFFFFFA0] =	vst v3;
	v3 =	vld [tilespmem:s9+$0xFFFFFFE0]  }
0x15b: {  	v6 =	vmax.bf16 v6, v0;
	v8 =	vld [tilespmem:s18+$0xFFFFF5F0];
	v1 =	vmul.bf16 v5, v1  }
0x15c: {  	[tilespmem:s7+$0xFFFFFF20] =	vst v6;
	v5 =	vld [tilespmem:s8+$0xFFFFF5F0]  }
0x15d: {  	v6 =	vld [tilespmem:s18+$0xFFFFF5B0];
	v1 =	vmax.bf16 v1, v0;
	v2 =	vmul.bf16 v2, v4  }
0x15e: {  	v4 =	vld [tilespmem:s8+$0xFFFFF5B0];
	[tilespmem:s13+$0xFFFFFF50] =	vst v1  }
0x15f: {  	v9 =	vld [tilespmem:s6+$0xFFFFFFA0];
	v1 =	vmul.bf16 v3, v7;
	v2 =	vmax.bf16 v2, v0  }
0x160: {  	v7 =	vld [tilespmem:s9+$0xFFFFFFA0];
	[tilespmem:s26+$0xFFFFFF70] =	vst v2  }
0x161: {  	v3 =	vmul.bf16 v5, v8;
	v2 =	vmax.bf16 v1, v0;
	v1 =	vld [tilespmem:s15+$0xFFFFFFC0];
	s15 =	smov.u32 s6;
	s6 =	smov.u32 s18  }
.Ltmp3:
0x162: {  	[tilespmem:s13+$0xFFFFFFE0] =	vst v2;
	v2 =	vld [tilespmem:s14+$0xFFFFFFC0];
	s14 =	smov.u32 s9;
	s9 =	smov.u32 s8;
	(pc) =	sbr.rel @p0 .LBB2_5-.Ltmp3, $4  }
0x163: {  	v5 =	vmul.bf16 v4, v6;
	v4 =	vmax.bf16 v3, v0;
	v3 =	vld [tilespmem:s15+$0xFFFFFFF0]  }
0x164: {  	[tilespmem:s7+$0xFFFFFFB0] =	vst v4;
	v4 =	vld [tilespmem:s14+$0xFFFFFFF0]  }
0x165: {  	v8 =	vmax.bf16 v5, v0;
	v6 =	vld [tilespmem:s18+$0xFFFFF600];
	v5 =	vmul.bf16 v7, v9  }
0x166: {  	s18 =	sadd.s32 $0x80, s18;
	[tilespmem:s7+$0xFFFFFF30] =	vst v8;
	v7 =	vld [tilespmem:s8+$0xFFFFF600]  }
0x167: {  	v8 =	vld [tilespmem:s6+$0xFFFFF5C0]  }
0x168: {  	v9 =	vld [tilespmem:s9+$0xFFFFF5C0];
	_ =	sdelay $0x2  }
0x169: {  	v6 =	vmul.bf16 v7, v6;
	_ =	sdelay $0x1  }
0x16a: {  	v53 =	vmul.bf16 v9, v8;
	v6 =	vmax.bf16 v6, v0  }
0x16b: {  	[tilespmem:s7+$0xFFFFFFC0] =	vst v6  }
0x16c: {  	v7 =	vmax.bf16 v53, v0;
	v6 =	vld [tilespmem:s6+$0xFFFFFFD0]  }
0x16d: {  	v54 =	vld [tilespmem:s9+$0xFFFFFFD0];
	[tilespmem:s7+$0xFFFFFF40] =	vst v7  }
0x16e: {  	v7 =	vld [tilespmem:s6+$0xFFFFFF90]  }
0x16f: {  	v55 =	vld [tilespmem:s9+$0xFFFFFF90];
	_ =	sdelay $0x2  }
0x170: {  	v6 =	vmul.bf16 v54, v6;
	_ =	sdelay $0x1  }
0x171: {  	v7 =	vmul.bf16 v55, v7;
	v6 =	vmax.bf16 v6, v0  }
0x172: {  	[tilespmem:s7+$0xFFFFFFD0] =	vst v6  }
0x173: {  	v7 =	vmax.bf16 v7, v0;
	v6 =	vld [tilespmem:s6+$0xFFFFFFE0]  }
0x174: {  	v56 =	vld [tilespmem:s9+$0xFFFFFFE0];
	[tilespmem:s7+$0xFFFFFF50] =	vst v7  }
0x175: {  	v7 =	vld [tilespmem:s6+$0xFFFFFFA0]  }
0x176: {  	v57 =	vld [tilespmem:s9+$0xFFFFFFA0];
	_ =	sdelay $0x2  }
0x177: {  	v5 =	vmax.bf16 v5, v0;
	v6 =	vmul.bf16 v56, v6  }
0x178: {  	[tilespmem:s13+$0xFFFFFF60] =	vst v5  }
0x179: {  	v5 =	vld [tilespmem:s15+$0xFFFFFFB0];
	v7 =	vmul.bf16 v57, v7;
	v6 =	vmax.bf16 v6, v0  }
0x17a: {  	v58 =	vld [tilespmem:s14+$0xFFFFFFB0];
	[tilespmem:s7+$0xFFFFFFE0] =	vst v6  }
0x17b: {  	v7 =	vmax.bf16 v7, v0;
	v6 =	vld [tilespmem:s6+$0xFFFFFFF0]  }
0x17c: {  	v59 =	vld [tilespmem:s9+$0xFFFFFFF0];
	[tilespmem:s7+$0xFFFFFF60] =	vst v7  }
0x17d: {  	v3 =	vmul.bf16 v4, v3;
	v60 =	vld [tilespmem:s6+$0xFFFFFFB0]  }
0x17e: {  	v7 =	vld [tilespmem:s9+$0xFFFFFFB0]  }
0x17f: {  	v3 =	vmax.bf16 v3, v0;
	v5 =	vmul.bf16 v58, v5  }
0x180: {  	[tilespmem:s13+$0xFFFFFFF0] =	vst v3  }
0x181: {  	v3 =	vld [tilespmem:s15+$0x0];
	v5 =	vmax.bf16 v5, v0;
	v6 =	vmul.bf16 v59, v6  }
0x182: {  	v61 =	vld [tilespmem:s14+$0x0];
	[tilespmem:s13+$0xFFFFFF70] =	vst v5  }
0x183: {  	v5 =	vld [tilespmem:s15+$0xFFFFFFC0];
	v4 =	vmul.bf16 v7, v60;
	v6 =	vmax.bf16 v6, v0  }
0x184: {  	v62 =	vld [tilespmem:s14+$0xFFFFFFC0];
	[tilespmem:s7+$0xFFFFFFF0] =	vst v6  }
0x185: {  	v4 =	vmax.bf16 v4, v0;
	v6 =	vld [tilespmem:s6+$0x0]  }
0x186: {  	v63 =	vld [tilespmem:s9+$0x0];
	[tilespmem:s7+$0xFFFFFF70] =	vst v4  }
0x187: {  	v4 =	vld [tilespmem:s6+$0xFFFFFFC0]  }
0x188: {  	v10 =	vld [tilespmem:s9+$0xFFFFFFC0]  }
0x189: {  	v1 =	vmul.bf16 v2, v1  }
0x18a: {  	v2 =	vmul.bf16 v61, v3  }
0x18b: {  	v1 =	vmax.bf16 v1, v0;
	v3 =	vmul.bf16 v62, v5  }
0x18c: {  	[tilespmem:s26+$0xFFFFFF80] =	vst v1;
	v1 =	vmax.bf16 v2, v0;
	v2 =	vmul.bf16 v63, v6  }
.Ltmp4:
0x18d: {  	s26 =	sadd.s32 s24, s10;
	[tilespmem:s13+$0x0] =	vst v1;
	v1 =	vmax.bf16 v3, v0;
	v3 =	vmul.bf16 v10, v4;
	(pc) =	sbr.rel @p1 .LBB2_8-.Ltmp4, $4  }
0x18e: {  	[tilespmem:s13+$0xFFFFFF80] =	vst v1;
	s6 =	sshll.u32 s26, $0x4;
	v1 =	vmax.bf16 v2, v0  }
0x18f: {  	s6 =	sand.u32 $0x1FFFFF80, s6;
	[tilespmem:s7+$0x0] =	vst v1;
	v1 =	vmax.bf16 v3, v0  }
0x190: {  	s6 =	sadd.s32 s5, s6;
	[tilespmem:s7+$0xFFFFFF80] =	vst v1  }
0x191: {  	[hbm4b:s6+s2] =	stream.linear.scatter [tilespmem:s17], [sflag:$0x6], $0x1400, $0x38;
	[tilespmem:$0x11440] =	vst v63  }
0x192: {  	s6 =	sadd.s32 $0x78, s24  }
0x193: {  	[tilespmem:s21], [sflag:$0x2] =	stream.indirect.gather [hbm4b:s4+s16], $0x40, s6, s16, $0xb8;
	[tilespmem:$0x11440] =	vst v63  }
0x194: {  	s15 =	sadd.s32 $0x2788, s24  }
0x195: {  	[tilespmem:s23], [sflag:$0x2] =	stream.indirect.gather [hbm4b:s4+s16], $0x40, s15, s16, $0xb8;
	[tilespmem:$0x11440] =	vst v63  }
.Ltmp5:
0x196: {  	_ = 	snop;
	(pc) =	sbr.rel .LBB2_2-.Ltmp5, $4  }
0x197: {  	s18 =	sadd.s32 $0x4E98, s24  }
0x198: {  	[tilespmem:s25], [sflag:$0x4] =	stream.indirect.gather [hbm4b:s4+s16], $0x40, s18, s16, $0xb8;
	[tilespmem:$0x11440] =	vst v63  }
0x199: {  	s26 =	sadd.s32 $0x75A8, s24;
	s22 =	sadd.s32 $0x1, s22  }
0x19a: {  	[tilespmem:s28], [sflag:$0x4] =	stream.indirect.gather [hbm4b:s4+s16], $0x40, s26, s16, $0xb8;
	[tilespmem:$0x11440] =	vst v63  }
.LBB2_9:
0x19b: {  	_ =	sfence.sel $0x180000  }
0x19c: {  	[bflag:$0x0] =	sbarrier.arrive $0xFFFF  }
0x19d: {  	_ =	strace $0x90000047  }
0x19e: {  	s0 =	stileid.u32;
	[bflag:$0x2] =	sbarrier.arrive $0xFFFF  }
0x19f: {  	p0 =	sne.s32 s0, $0x0;
	s0 =	rddreg [dreg:$0x2]  }
0x1a0: {  	s0 =	sadd.s32 @!p0 $0x100000, s0  }
0x1a1: {  	[sflag:s0] =	ssyncadd.tile.s32 @!p0 $0x1;
	_ =	shalt  }
.Lfunc_end2:
_tile_overlayer_lowered:
.L_overlay_start_2:
0x1a2: {  	(tag) =	ssettag $0x2  }
0x1a3: {  	s0 =	rddreg [dreg:$0x0];
	s2 =	stileid.u32  }
0x1a4: {  	s1 =	rddreg [dreg:$0x1];
	p0 =	sne.s32 s2, $0x0  }
0x1a5: {  	s3 =	rddreg [dreg:$0x2];
	[bflag:$0x3] =	sbarrier.arrive $0xFFFF;
	s2 =	simm.s32 @!p0 $0x1C07  }
0x1a6: {  	[timem:s3], [sflag:s2] =	dma.local @!p0 [hbm:s0], s1  }
0x1a7: {  	s0 =	simm.s32 @!p0 $0x7  }
0x1a8: {  	_ =	swait.ge @!p0 [sflag:s0], s1  }
0x1a9: {  	s1 =	ssub.s32 @!p0 $0x0, s1;
	[sflag:s0] =	ssyncset.done @!p0 $0x0  }
0x1aa: {  	[sflag:s0] =	ssyncadd.s32 @!p0 s1  }
0x1ab: {  	[bflag:$0x3] =	sbarrier.arrive $0xFFFF  }
0x1ac: {  	_ =	shalt  }

</sc_bundles>
